<compile_context>
chip_gen: v7x
topology: tpu7x:2x2x1
jax: 0.10.2.dev20260603
libtpu: 0.0.44.dev20260713+nightly
codegen_flags: <defaults>
</compile_context>

<pallas_src>
import jax
import jax.numpy as jnp
from jax import lax
from jax.experimental import pallas as pl
from jax.experimental.pallas import tpu as pltpu
from jax.experimental.pallas import tpu_sc as plsc

NUM_EXPERTS = 64
D_MODEL = 1024
D_FF = 1024
NUM_TOKENS = 2048
CAP = 32
PAD_LEN = 32


def _compact_body(te_hbm, stt_hbm, te_v, stt_v, pad_v):
    L = 16
    PAD = 8
    wid = lax.axis_index("s") * 2 + lax.axis_index("c")
    pltpu.sync_copy(te_hbm, te_v)

    zeros = jnp.zeros((L,), jnp.int32)
    ones = jnp.ones((L,), jnp.int32)
    pad_v[pl.ds(0, L)] = zeros
    fill = jnp.full((L,), NUM_TOKENS, jnp.int32)
    for i in range(2 * CAP // L):
        stt_v[pl.ds(i * L, L)] = fill
    lane = lax.iota(jnp.int32, L)
    last = jnp.full((L,), PAD + L - 1, jnp.int32)

    def body(g, bases):
        tev = te_v[pl.ds(g * L, L)]
        m0 = tev == wid * 2
        m1 = tev == wid * 2 + 1

        def compact(bases):
            b0, b1 = bases
            tok = g * L + lane
            acc = (jnp.where(m0, ones, zeros)
                   + jnp.where(m1, jnp.full((L,), 256, jnp.int32), zeros))
            for k in (1, 2, 4, 8):
                pad_v[pl.ds(PAD, L)] = acc
                acc = acc + plsc.load_gather(pad_v, [lane + (PAD - k)])
            pos0 = (acc & 255) - 1 + b0
            pos1 = (acc >> 8) - 1 + b1
            ok0 = m0 & (pos0 < CAP)
            ok1 = m1 & (pos1 < CAP)
            idx = jnp.where(ok0, pos0, jnp.where(ok1, CAP + pos1, zeros))
            plsc.store_scatter(stt_v, [idx], tok, mask=ok0 | ok1)
            pad_v[pl.ds(PAD, L)] = acc
            tot = plsc.load_gather(pad_v, [last])
            return b0 + (tot & 255), b1 + (tot >> 8)

        return lax.cond(jnp.any(m0 | m1), compact, lambda b: b, bases)

    lax.fori_loop(0, NUM_TOKENS // L, body, (zeros, zeros))
    pltpu.sync_copy(stt_v, stt_hbm.at[pl.ds(wid * 2 * CAP, 2 * CAP)])


def _sc_compact(top_e):
    mesh = plsc.VectorSubcoreMesh(core_axis_name="c", subcore_axis_name="s")
    f = pl.kernel(
        _compact_body,
        mesh=mesh,
        compiler_params=pltpu.CompilerParams(needs_layout_passes=False),
        out_type=jax.ShapeDtypeStruct((NUM_EXPERTS * CAP,), jnp.int32),
        scratch_types=[
            pltpu.VMEM((NUM_TOKENS,), jnp.int32),
            pltpu.VMEM((2 * CAP,), jnp.int32),
            pltpu.VMEM((PAD_LEN,), jnp.int32),
        ],
    )
    return f(top_e)


def _moe_body(idx_ref, wts_ref, x_ref, w1_ref, b1_ref, w2_ref, b2_ref,
              out_ref, xe_ref):
    e = pl.program_id(0)

    @pl.when(e == 0)
    def _init():
        out_ref[...] = jnp.zeros_like(out_ref)

    for c in range(CAP):
        t = idx_ref[e, c]
        ts = jnp.where(t >= NUM_TOKENS, 0, t)
        xe_ref[pl.ds(c, 1), :] = x_ref[pl.ds(ts, 1), :]

    h = jnp.maximum(
        jnp.dot(xe_ref[...], w1_ref[0], preferred_element_type=jnp.float32)
        + b1_ref[0], 0.0)
    y = (jnp.dot(h, w2_ref[0], preferred_element_type=jnp.float32)
         + b2_ref[0])

    for c in range(CAP):
        t = idx_ref[e, c]

        @pl.when(t < NUM_TOKENS)
        def _store():
            out_ref[pl.ds(t, 1), :] = y[c:c + 1, :] * wts_ref[t]


@jax.jit
def kernel(x, w_router, w1, b1, w2, b2, rng):
    T, D = x.shape
    E = NUM_EXPERTS

    logits = x @ w_router
    top_e = jnp.argmax(logits, axis=-1).astype(jnp.int32)
    mx = jnp.max(logits, axis=-1)
    wt = 1.0 / jnp.sum(jnp.exp(logits - mx[:, None]), axis=-1)

    stt = _sc_compact(top_e)
    slot_to_token = stt.reshape(E, CAP)

    grid_spec = pltpu.PrefetchScalarGridSpec(
        num_scalar_prefetch=2,
        grid=(E,),
        in_specs=[
            pl.BlockSpec((T, D), lambda e, *_: (0, 0)),
            pl.BlockSpec((1, D, D_FF), lambda e, *_: (e, 0, 0)),
            pl.BlockSpec((1, 1, D_FF), lambda e, *_: (e, 0, 0)),
            pl.BlockSpec((1, D_FF, D), lambda e, *_: (e, 0, 0)),
            pl.BlockSpec((1, 1, D), lambda e, *_: (e, 0, 0)),
        ],
        out_specs=pl.BlockSpec((T, D), lambda e, *_: (0, 0)),
        scratch_shapes=[pltpu.VMEM((CAP, D), jnp.float32)],
    )
    out = pl.pallas_call(
        _moe_body,
        grid_spec=grid_spec,
        out_shape=jax.ShapeDtypeStruct((T, D), x.dtype),
        compiler_params=pltpu.CompilerParams(
            dimension_semantics=("arbitrary",),
        ),
    )(slot_to_token, wt, x, w1, b1.reshape(E, 1, D_FF), w2,
      b2.reshape(E, 1, D))
    return out

# --- scband reference (transcript-rebuilt; emitter-appended) ---
"""Pipeline reference for scband-mo-e-63127429317119 (READ-ONLY COPY).

The authoritative reference and input builder live on the scoring server;
editing this copy changes nothing except your own understanding.
"""

import math
import jax
import jax.numpy as jnp
import numpy as np

NUM_EXPERTS = 64
TOP_K = 1
CAPACITY_FACTOR = 1.0
D_MODEL = 1024
D_FF = 1024
NUM_TOKENS = 2048


def setup_inputs(seed: int = 0) -> dict:
    key = jax.random.key(seed)
    ks = jax.random.split(key, 6)
    x = jax.random.normal(ks[0], (NUM_TOKENS, D_MODEL), dtype=jnp.float32)
    w_router = jax.random.normal(ks[1], (D_MODEL, NUM_EXPERTS), dtype=jnp.float32) * (1.0 / math.sqrt(D_MODEL))
    w1 = jax.random.normal(ks[2], (NUM_EXPERTS, D_MODEL, D_FF), dtype=jnp.float32) * (1.0 / math.sqrt(D_MODEL))
    b1 = jnp.zeros((NUM_EXPERTS, D_FF), dtype=jnp.float32)
    w2 = jax.random.normal(ks[3], (NUM_EXPERTS, D_FF, D_MODEL), dtype=jnp.float32) * (1.0 / math.sqrt(D_FF))
    b2 = jnp.zeros((NUM_EXPERTS, D_MODEL), dtype=jnp.float32)
    rng = jnp.zeros((2,), dtype=jnp.int32)  # stand-in for the PRNG key (router is deterministic at eval)
    return {"x": x, "w_router": w_router, "w1": w1, "b1": b1, "w2": w2, "b2": b2, "rng": rng}


def reference(x, w_router, w1, b1, w2, b2, rng):
    num_tokens = x.shape[0]
    max_capacity = int(math.ceil(num_tokens * CAPACITY_FACTOR / NUM_EXPERTS))
    # --- TopKRouter ---
    logits = x @ w_router                      # [T, E]
    probs = jax.nn.softmax(logits, axis=-1)
    top_expert_weights, top_experts = jax.lax.top_k(probs, TOP_K)  # [T, k]
    # --- expert assignment -> per-expert token index lists ---
    expert_indices = jnp.arange(NUM_EXPERTS)[None, :] == top_experts  # [T, E] (k=1)
    clipped_expert_indices = jax.vmap(
        lambda col: jnp.nonzero(col, size=max_capacity, fill_value=num_tokens)[0],
        in_axes=1, out_axes=0)(expert_indices)  # [E, cap]
    # --- gather tokens per expert (OOB slots fill -> 0 after nan_to_num) ---
    mixture_inputs = jnp.take_along_axis(
        x[None, ...], clipped_expert_indices[..., None], axis=1,
        mode="fill", fill_value=0.0)           # [E, cap, D_MODEL]
    mixture_inputs = jnp.nan_to_num(mixture_inputs)
    # --- per-expert MLP (vmapped expert module) ---
    experts_hidden = jax.nn.relu(jnp.einsum("ecd,edf->ecf", mixture_inputs, w1) + b1[:, None, :])
    experts = jnp.einsum("ecf,efd->ecd", experts_hidden, w2) + b2[:, None, :]  # [E, cap, D_MODEL]
    # --- scatter back to token order (OOB indices dropped) ---
    outputs = jnp.zeros((num_tokens, D_MODEL), dtype=x.dtype)
    outputs = outputs.at[clipped_expert_indices.reshape(-1)].set(
        experts.reshape(-1, D_MODEL), mode="drop")
    values = outputs * top_expert_weights      # [T, D_MODEL] * [T, 1]
    return values


if False:  # reference __main__ guard neutralized (emitter)
    inp = setup_inputs()
    out = reference(**inp)
    print(out.shape, out.dtype)

if __name__ == "__main__":
    import jax
    _d = setup_inputs()
    print(jax.jit(kernel)(*tuple(_d.values())))

</pallas_src>

<mosaic_0001>
#map = affine_map<(d0, d1) -> (0)>
module attributes {stable_mosaic.version = 14 : i64} {
  func.func @_compact_body(%arg0: i32, %arg1: i32, %arg2: memref<2048xi32, #tpu.memory_space<hbm>>, %arg3: memref<2048xi32, #tpu.memory_space<hbm>>, %arg4: memref<2048xi32, #tpu.memory_space<vmem>>, %arg5: memref<64xi32, #tpu.memory_space<vmem>>, %arg6: memref<32xi32, #tpu.memory_space<vmem>>) attributes {dimension_semantics = [#tpu.dimension_semantics<core_parallel>, #tpu.dimension_semantics<subcore_parallel>], iteration_bounds = array<i64: 2, 16>, scalar_prefetch = 0 : i64, scratch_operands = 3 : i64, tpu.core_type = #tpu.core_type<sc_vector_subcore>, window_params = [{transform_indices = #map}, {transform_indices = #map}]} {
    %mul3A = arith.constant 2 : i32
    %mul3A_0 = arith.muli %arg1, %mul3A : i32
    %add3A = arith.addi %mul3A_0, %arg0 : i32
    "tpu.region"() ({
      %run_scoped3A = tpu.sem_alloc : memref<!tpu.dma_semaphore, #tpu.memory_space<semaphore_mem>>
      tpu.enqueue_dma source(%arg2 : memref<2048xi32, #tpu.memory_space<hbm>>) target(%arg4 : memref<2048xi32, #tpu.memory_space<vmem>>) target_semaphore(%run_scoped3A : memref<!tpu.dma_semaphore, #tpu.memory_space<semaphore_mem>>)
      tpu.wait_dma2 semaphore(%run_scoped3A : memref<!tpu.dma_semaphore, #tpu.memory_space<semaphore_mem>>) src(%arg2 : memref<2048xi32, #tpu.memory_space<hbm>>) dst(%arg4 : memref<2048xi32, #tpu.memory_space<vmem>>)
      tpu.yield
    }) : () -> ()
    %broadcast_in_dim3A = arith.constant 0 : i32
    %broadcast_in_dim3A_1 = vector.broadcast %broadcast_in_dim3A : i32 to vector<16xi32>
    %broadcast_in_dim3A_2 = arith.constant 1 : i32
    %broadcast_in_dim3A_3 = vector.broadcast %broadcast_in_dim3A_2 : i32 to vector<16xi32>
    %swap3A = arith.constant 0 : index
    %swap3A_4 = tpu.vector_load %arg6[%swap3A] {strides = array<i32>} : memref<32xi32, #tpu.memory_space<vmem>>, vector<16xi32>,
    tpu.vector_store %arg6[%swap3A], %broadcast_in_dim3A_1 {strides = array<i32>} : memref<32xi32, #tpu.memory_space<vmem>>, vector<16xi32>,
    %broadcast_in_dim3A_5 = arith.constant 2048 : i32
    %broadcast_in_dim3A_6 = vector.broadcast %broadcast_in_dim3A_5 : i32 to vector<16xi32>
    %swap3A_7 = arith.constant 0 : index
    %swap3A_8 = tpu.vector_load %arg5[%swap3A_7] {strides = array<i32>} : memref<64xi32, #tpu.memory_space<vmem>>, vector<16xi32>,
    tpu.vector_store %arg5[%swap3A_7], %broadcast_in_dim3A_6 {strides = array<i32>} : memref<64xi32, #tpu.memory_space<vmem>>, vector<16xi32>,
    %swap3A_9 = arith.constant 16 : index
    %swap3A_10 = tpu.vector_load %arg5[%swap3A_9] {strides = array<i32>} : memref<64xi32, #tpu.memory_space<vmem>>, vector<16xi32>,
    tpu.vector_store %arg5[%swap3A_9], %broadcast_in_dim3A_6 {strides = array<i32>} : memref<64xi32, #tpu.memory_space<vmem>>, vector<16xi32>,
    %swap3A_11 = arith.constant 32 : index
    %swap3A_12 = tpu.vector_load %arg5[%swap3A_11] {strides = array<i32>} : memref<64xi32, #tpu.memory_space<vmem>>, vector<16xi32>,
    tpu.vector_store %arg5[%swap3A_11], %broadcast_in_dim3A_6 {strides = array<i32>} : memref<64xi32, #tpu.memory_space<vmem>>, vector<16xi32>,
    %swap3A_13 = arith.constant 48 : index
    %swap3A_14 = tpu.vector_load %arg5[%swap3A_13] {strides = array<i32>} : memref<64xi32, #tpu.memory_space<vmem>>, vector<16xi32>,
    tpu.vector_store %arg5[%swap3A_13], %broadcast_in_dim3A_6 {strides = array<i32>} : memref<64xi32, #tpu.memory_space<vmem>>, vector<16xi32>,
    %iota3A = tpu.iota {dimensions = array<i32: 0>} : vector<16xi32>
    %broadcast_in_dim3A_15 = arith.constant 23 : i32
    %broadcast_in_dim3A_16 = vector.broadcast %broadcast_in_dim3A_15 : i32 to vector<16xi32>
    %scan3A = arith.constant 0 : i32
    %scan3A_17 = arith.constant 128 : i32
    %scan3A_18 = arith.addi %scan3A, %scan3A_17 : i32
    %scan3A_19 = arith.constant 1 : i32
    %scan3A_20:2 = scf.for %scan3A_26 = %scan3A to %scan3A_18 step %scan3A_19 iter_args(%scan3A_27 = %broadcast_in_dim3A_1, %scan3A_28 = %broadcast_in_dim3A_1) -> (vector<16xi32>, vector<16xi32>)  : i32 {
      %mul3A_29 = arith.constant 16 : i32
      %mul3A_30 = arith.muli %scan3A_26, %mul3A_29 : i32
      %get3A = arith.index_cast %mul3A_30 : i32 to index
      %get3A_31 = tpu.vector_load %arg4[%get3A] {strides = array<i32>} : memref<2048xi32, #tpu.memory_space<vmem>>, vector<16xi32>,
      %mul3A_32 = arith.constant 2 : i32
      %mul3A_33 = arith.muli %add3A, %mul3A_32 : i32
      %eq3A = vector.broadcast %mul3A_33 : i32 to vector<16xi32>
      %eq3A_34 = arith.cmpi eq, %get3A_31, %eq3A : vector<16xi32>
      %mul3A_35 = arith.constant 2 : i32
      %mul3A_36 = arith.muli %add3A, %mul3A_35 : i32
      %add3A_37 = arith.constant 1 : i32
      %add3A_38 = arith.addi %mul3A_36, %add3A_37 : i32
      %eq3A_39 = vector.broadcast %add3A_38 : i32 to vector<16xi32>
      %eq3A_40 = arith.cmpi eq, %get3A_31, %eq3A_39 : vector<16xi32>
      %or3A = arith.ori %eq3A_34, %eq3A_40 : vector<16xi1>
      %reduce_or3A = arith.constant 1.000000e+00 : f32
      %reduce_or3A_41 = arith.constant 0.000000e+00 : f32
      %reduce_or3A_42 = vector.broadcast %reduce_or3A : f32 to vector<16xf32>
      %reduce_or3A_43 = vector.broadcast %reduce_or3A_41 : f32 to vector<16xf32>
      %reduce_or3A_44 = arith.select %or3A, %reduce_or3A_42, %reduce_or3A_43 : vector<16xi1>, vector<16xf32>
      %reduce_or3A_45 = arith.constant true
      %reduce_or3A_46 = vector.broadcast %reduce_or3A_45 : i1 to vector<16xi1>
      %reduce_or3A_47 = tpu.scan <max>, %reduce_or3A_44 masked %reduce_or3A_46 : vector<16xf32>, vector<16xi1> -> vector<16xf32>
      %reduce_or3A_48 = vector.extract %reduce_or3A_47[15] : f32 from vector<16xf32>
      %reduce_or3A_49 = arith.constant 0.000000e+00 : f32
      %reduce_or3A_50 = arith.cmpf ogt, %reduce_or3A_48, %reduce_or3A_49 : f32
      %convert_element_type3A = arith.extui %reduce_or3A_50 : i1 to i32
      %cond3A = arith.constant 0 : i32
      %cond3A_51 = arith.cmpi ne, %convert_element_type3A, %cond3A : i32
      %cond3A_52:2 = scf.if %cond3A_51 -> (vector<16xi32>, vector<16xi32>) {
        %mul3A_53 = arith.constant 16 : i32
        %mul3A_54 = arith.muli %scan3A_26, %mul3A_53 : i32
        %add3A_55 = vector.broadcast %mul3A_54 : i32 to vector<16xi32>
        %add3A_56 = arith.addi %add3A_55, %iota3A : vector<16xi32>
        %select_n3A = arith.select %eq3A_34, %broadcast_in_dim3A_3, %broadcast_in_dim3A_1 : vector<16xi1>, vector<16xi32>
        %broadcast_in_dim3A_57 = arith.constant 256 : i32
        %broadcast_in_dim3A_58 = vector.broadcast %broadcast_in_dim3A_57 : i32 to vector<16xi32>
        %select_n3A_59 = arith.select %eq3A_40, %broadcast_in_dim3A_58, %broadcast_in_dim3A_1 : vector<16xi1>, vector<16xi32>
        %add3A_60 = arith.addi %select_n3A, %select_n3A_59 : vector<16xi32>
        %swap3A_61 = arith.constant 8 : index
        %swap3A_62 = tpu.vector_load %arg6[%swap3A_61] {strides = array<i32>} : memref<32xi32, #tpu.memory_space<vmem>>, vector<16xi32>,
        tpu.vector_store %arg6[%swap3A_61], %add3A_60 {strides = array<i32>} : memref<32xi32, #tpu.memory_space<vmem>>, vector<16xi32>,
        %add3A_63 = arith.constant 7 : i32
        %add3A_64 = vector.broadcast %add3A_63 : i32 to vector<16xi32>
        %add3A_65 = arith.addi %iota3A, %add3A_64 : vector<16xi32>
        %gather3A = tpu.vector_load_idx %arg6[%add3A_65] : memref<32xi32, #tpu.memory_space<vmem>>[vector<16xi32>], vector<16xi32>,
        %add3A_66 = arith.addi %add3A_60, %gather3A : vector<16xi32>
        %swap3A_67 = arith.constant 8 : index
        %swap3A_68 = tpu.vector_load %arg6[%swap3A_67] {strides = array<i32>} : memref<32xi32, #tpu.memory_space<vmem>>, vector<16xi32>,
        tpu.vector_store %arg6[%swap3A_67], %add3A_66 {strides = array<i32>} : memref<32xi32, #tpu.memory_space<vmem>>, vector<16xi32>,
        %add3A_69 = arith.constant 6 : i32
        %add3A_70 = vector.broadcast %add3A_69 : i32 to vector<16xi32>
        %add3A_71 = arith.addi %iota3A, %add3A_70 : vector<16xi32>
        %gather3A_72 = tpu.vector_load_idx %arg6[%add3A_71] : memref<32xi32, #tpu.memory_space<vmem>>[vector<16xi32>], vector<16xi32>,
        %add3A_73 = arith.addi %add3A_66, %gather3A_72 : vector<16xi32>
        %swap3A_74 = arith.constant 8 : index
        %swap3A_75 = tpu.vector_load %arg6[%swap3A_74] {strides = array<i32>} : memref<32xi32, #tpu.memory_space<vmem>>, vector<16xi32>,
        tpu.vector_store %arg6[%swap3A_74], %add3A_73 {strides = array<i32>} : memref<32xi32, #tpu.memory_space<vmem>>, vector<16xi32>,
        %add3A_76 = arith.constant 4 : i32
        %add3A_77 = vector.broadcast %add3A_76 : i32 to vector<16xi32>
        %add3A_78 = arith.addi %iota3A, %add3A_77 : vector<16xi32>
        %gather3A_79 = tpu.vector_load_idx %arg6[%add3A_78] : memref<32xi32, #tpu.memory_space<vmem>>[vector<16xi32>], vector<16xi32>,
        %add3A_80 = arith.addi %add3A_73, %gather3A_79 : vector<16xi32>
        %swap3A_81 = arith.constant 8 : index
        %swap3A_82 = tpu.vector_load %arg6[%swap3A_81] {strides = array<i32>} : memref<32xi32, #tpu.memory_space<vmem>>, vector<16xi32>,
        tpu.vector_store %arg6[%swap3A_81], %add3A_80 {strides = array<i32>} : memref<32xi32, #tpu.memory_space<vmem>>, vector<16xi32>,
        %add3A_83 = arith.constant 0 : i32
        %add3A_84 = vector.broadcast %add3A_83 : i32 to vector<16xi32>
        %add3A_85 = arith.addi %iota3A, %add3A_84 : vector<16xi32>
        %gather3A_86 = tpu.vector_load_idx %arg6[%add3A_85] : memref<32xi32, #tpu.memory_space<vmem>>[vector<16xi32>], vector<16xi32>,
        %add3A_87 = arith.addi %add3A_80, %gather3A_86 : vector<16xi32>
        %and3A = arith.constant 255 : i32
        %and3A_88 = vector.broadcast %and3A : i32 to vector<16xi32>
        %and3A_89 = arith.andi %add3A_87, %and3A_88 : vector<16xi32>
        %sub3A = arith.constant 1 : i32
        %sub3A_90 = vector.broadcast %sub3A : i32 to vector<16xi32>
        %sub3A_91 = arith.subi %and3A_89, %sub3A_90 : vector<16xi32>
        %add3A_92 = arith.addi %sub3A_91, %scan3A_27 : vector<16xi32>
        %shift_right_arithmetic3A = arith.constant 8 : i32
        %shift_right_arithmetic3A_93 = vector.broadcast %shift_right_arithmetic3A : i32 to vector<16xi32>
        %shift_right_arithmetic3A_94 = arith.shrsi %add3A_87, %shift_right_arithmetic3A_93 : vector<16xi32>
        %sub3A_95 = arith.constant 1 : i32
        %sub3A_96 = vector.broadcast %sub3A_95 : i32 to vector<16xi32>
        %sub3A_97 = arith.subi %shift_right_arithmetic3A_94, %sub3A_96 : vector<16xi32>
        %add3A_98 = arith.addi %sub3A_97, %scan3A_28 : vector<16xi32>
        %lt3A = arith.constant 32 : i32
        %lt3A_99 = vector.broadcast %lt3A : i32 to vector<16xi32>
        %lt3A_100 = arith.cmpi slt, %add3A_92, %lt3A_99 : vector<16xi32>
        %and3A_101 = arith.andi %eq3A_34, %lt3A_100 : vector<16xi1>
        %lt3A_102 = arith.constant 32 : i32
        %lt3A_103 = vector.broadcast %lt3A_102 : i32 to vector<16xi32>
        %lt3A_104 = arith.cmpi slt, %add3A_98, %lt3A_103 : vector<16xi32>
        %and3A_105 = arith.andi %eq3A_40, %lt3A_104 : vector<16xi1>
        %add3A_106 = arith.constant 32 : i32
        %add3A_107 = vector.broadcast %add3A_106 : i32 to vector<16xi32>
        %add3A_108 = arith.addi %add3A_107, %add3A_98 : vector<16xi32>
        %select_n3A_109 = arith.select %and3A_105, %add3A_108, %broadcast_in_dim3A_1 : vector<16xi1>, vector<16xi32>
        %select_n3A_110 = arith.select %and3A_101, %add3A_92, %select_n3A_109 : vector<16xi1>, vector<16xi32>
        %or3A_111 = arith.ori %and3A_101, %and3A_105 : vector<16xi1>
        tpu.vector_store_idx %arg5[%select_n3A_110], %add3A_56 masked %or3A_111 : memref<64xi32, #tpu.memory_space<vmem>>[vector<16xi32>], vector<16xi32>, vector<16xi1>
        %swap3A_112 = arith.constant 8 : index
        %swap3A_113 = tpu.vector_load %arg6[%swap3A_112] {strides = array<i32>} : memref<32xi32, #tpu.memory_space<vmem>>, vector<16xi32>,
        tpu.vector_store %arg6[%swap3A_112], %add3A_87 {strides = array<i32>} : memref<32xi32, #tpu.memory_space<vmem>>, vector<16xi32>,
        %gather3A_114 = tpu.vector_load_idx %arg6[%broadcast_in_dim3A_16] : memref<32xi32, #tpu.memory_space<vmem>>[vector<16xi32>], vector<16xi32>,
        %and3A_115 = arith.constant 255 : i32
        %and3A_116 = vector.broadcast %and3A_115 : i32 to vector<16xi32>
        %and3A_117 = arith.andi %gather3A_114, %and3A_116 : vector<16xi32>
        %add3A_118 = arith.addi %scan3A_27, %and3A_117 : vector<16xi32>
        %shift_right_arithmetic3A_119 = arith.constant 8 : i32
        %shift_right_arithmetic3A_120 = vector.broadcast %shift_right_arithmetic3A_119 : i32 to vector<16xi32>
        %shift_right_arithmetic3A_121 = arith.shrsi %gather3A_114, %shift_right_arithmetic3A_120 : vector<16xi32>
        %add3A_122 = arith.addi %scan3A_28, %shift_right_arithmetic3A_121 : vector<16xi32>
        scf.yield %add3A_118, %add3A_122 : vector<16xi32>, vector<16xi32>
      } else {
        scf.yield %scan3A_27, %scan3A_28 : vector<16xi32>, vector<16xi32>
      }
      scf.yield %cond3A_52#0, %cond3A_52#1 : vector<16xi32>, vector<16xi32>
    }
    %scan3A_21 = arith.constant 128 : i32
    %mul3A_22 = arith.constant 2 : i32
    %mul3A_23 = arith.muli %add3A, %mul3A_22 : i32
    %mul3A_24 = arith.constant 32 : i32
    %mul3A_25 = arith.muli %mul3A_23, %mul3A_24 : i32
    "tpu.region"() ({
      %run_scoped3A = tpu.sem_alloc : memref<!tpu.dma_semaphore, #tpu.memory_space<semaphore_mem>>
      %dma_start3A = tpu.memref_slice %arg3[%mul3A_25] : memref<2048xi32, #tpu.memory_space<hbm>> -> memref<64xi32, #tpu.memory_space<hbm>>
      %dma_start3A_26 = tpu.memref_slice %arg3[%mul3A_25] : memref<2048xi32, #tpu.memory_space<hbm>> -> memref<64xi32, #tpu.memory_space<hbm>>
      tpu.enqueue_dma source(%arg5 : memref<64xi32, #tpu.memory_space<vmem>>) target(%dma_start3A_26 : memref<64xi32, #tpu.memory_space<hbm>>) target_semaphore(%run_scoped3A : memref<!tpu.dma_semaphore, #tpu.memory_space<semaphore_mem>>)
      %dma_wait3A = tpu.memref_slice %arg3[%mul3A_25] : memref<2048xi32, #tpu.memory_space<hbm>> -> memref<64xi32, #tpu.memory_space<hbm>>
      %dma_wait3A_27 = tpu.memref_slice %arg3[%mul3A_25] : memref<2048xi32, #tpu.memory_space<hbm>> -> memref<64xi32, #tpu.memory_space<hbm>>
      tpu.wait_dma2 semaphore(%run_scoped3A : memref<!tpu.dma_semaphore, #tpu.memory_space<semaphore_mem>>) src(%arg5 : memref<64xi32, #tpu.memory_space<vmem>>) dst(%dma_wait3A_27 : memref<64xi32, #tpu.memory_space<hbm>>)
      tpu.yield
    }) : () -> ()
    return
  }
}

module attributes {stable_mosaic.version = 14 : i64} {
  func.func @_moe_body(%arg0: i32, %arg1: memref<64x32xi32, #tpu.memory_space<smem>>, %arg2: memref<2048xf32, #tpu.memory_space<smem>>, %arg3: memref<2048x1024xf32, #tpu.memory_space<vmem>>, %arg4: memref<1x1024x1024xf32, #tpu.memory_space<vmem>>, %arg5: memref<1x1x1024xf32, #tpu.memory_space<vmem>>, %arg6: memref<1x1024x1024xf32, #tpu.memory_space<vmem>>, %arg7: memref<1x1x1024xf32, #tpu.memory_space<vmem>>, %arg8: memref<2048x1024xf32, #tpu.memory_space<vmem>>, %arg9: memref<32x1024xf32, #tpu.memory_space<vmem>>) attributes {dimension_semantics = [#tpu.dimension_semantics<arbitrary>], iteration_bounds = array<i64: 64>, scalar_prefetch = 2 : i64, scratch_operands = 1 : i64, tpu.core_type = #tpu.core_type<tc>, window_params = [{pipeline_mode = #tpu.pipeline_mode<synchronous>, transform_indices = @transform_0, window_bounds = array<i64: 2048, 1024>}, {transform_indices = @transform_1, window_bounds = array<i64: 1, 1024, 1024>}, {transform_indices = @transform_2, window_bounds = array<i64: 1, 1, 1024>}, {transform_indices = @transform_3, window_bounds = array<i64: 1, 1024, 1024>}, {transform_indices = @transform_4, window_bounds = array<i64: 1, 1, 1024>}, {pipeline_mode = #tpu.pipeline_mode<synchronous>, transform_indices = @transform_5, window_bounds = array<i64: 2048, 1024>}]} {
    %eq3A = arith.constant 0 : i32
    %eq3A_0 = arith.cmpi eq, %arg0, %eq3A : i32
    %convert_element_type3A = arith.extui %eq3A_0 : i1 to i32
    %cond3A = arith.constant 0 : i32
    %cond3A_1 = arith.cmpi ne, %convert_element_type3A, %cond3A : i32
    scf.if %cond3A_1 {
      %broadcast_in_dim3A = arith.constant 0.000000e+00 : f32
      %broadcast_in_dim3A_699 = vector.broadcast %broadcast_in_dim3A : f32 to vector<2048x1024xf32>
      %swap3A_700 = arith.constant 0 : index
      %swap3A_701 = arith.constant 0 : index
      %swap3A_702 = vector.load %arg8[%swap3A_700, %swap3A_701] : memref<2048x1024xf32, #tpu.memory_space<vmem>>, vector<2048x1024xf32>
      tpu.vector_store %arg8[%swap3A_700, %swap3A_701], %broadcast_in_dim3A_699 {strides = array<i32>} : memref<2048x1024xf32, #tpu.memory_space<vmem>>, vector<2048x1024xf32>,
    } else {
    }
    %get3A = arith.index_cast %arg0 : i32 to index
    %get3A_2 = arith.constant 0 : index
    %get3A_3 = memref.load %arg1[%get3A, %get3A_2] : memref<64x32xi32, #tpu.memory_space<smem>>
    %ge3A = arith.constant 2048 : i32
    %ge3A_4 = arith.cmpi sge, %get3A_3, %ge3A : i32
    %jit3A = arith.constant 0 : i32
    %select_n3A = arith.select %ge3A_4, %jit3A, %get3A_3 : i32
    %get3A_5 = arith.index_cast %select_n3A : i32 to index
    %get3A_6 = arith.constant 0 : index
    %get3A_7 = vector.load %arg3[%get3A_5, %get3A_6] : memref<2048x1024xf32, #tpu.memory_space<vmem>>, vector<1x1024xf32>
    %swap3A = arith.constant 0 : index
    %swap3A_8 = arith.constant 0 : index
    %swap3A_9 = vector.load %arg9[%swap3A, %swap3A_8] : memref<32x1024xf32, #tpu.memory_space<vmem>>, vector<1x1024xf32>
    tpu.vector_store %arg9[%swap3A, %swap3A_8], %get3A_7 {strides = array<i32>} : memref<32x1024xf32, #tpu.memory_space<vmem>>, vector<1x1024xf32>,
    %get3A_10 = arith.index_cast %arg0 : i32 to index
    %get3A_11 = arith.constant 1 : index
    %get3A_12 = memref.load %arg1[%get3A_10, %get3A_11] : memref<64x32xi32, #tpu.memory_space<smem>>
    %ge3A_13 = arith.constant 2048 : i32
    %ge3A_14 = arith.cmpi sge, %get3A_12, %ge3A_13 : i32
    %jit3A_15 = arith.constant 0 : i32
    %select_n3A_16 = arith.select %ge3A_14, %jit3A_15, %get3A_12 : i32
    %get3A_17 = arith.index_cast %select_n3A_16 : i32 to index
    %get3A_18 = arith.constant 0 : index
    %get3A_19 = vector.load %arg3[%get3A_17, %get3A_18] : memref<2048x1024xf32, #tpu.memory_space<vmem>>, vector<1x1024xf32>
    %swap3A_20 = arith.constant 1 : index
    %swap3A_21 = arith.constant 0 : index
    %swap3A_22 = vector.load %arg9[%swap3A_20, %swap3A_21] : memref<32x1024xf32, #tpu.memory_space<vmem>>, vector<1x1024xf32>
    tpu.vector_store %arg9[%swap3A_20, %swap3A_21], %get3A_19 {strides = array<i32>} : memref<32x1024xf32, #tpu.memory_space<vmem>>, vector<1x1024xf32>,
    %get3A_23 = arith.index_cast %arg0 : i32 to index
    %get3A_24 = arith.constant 2 : index
    %get3A_25 = memref.load %arg1[%get3A_23, %get3A_24] : memref<64x32xi32, #tpu.memory_space<smem>>
    %ge3A_26 = arith.constant 2048 : i32
    %ge3A_27 = arith.cmpi sge, %get3A_25, %ge3A_26 : i32
    %jit3A_28 = arith.constant 0 : i32
    %select_n3A_29 = arith.select %ge3A_27, %jit3A_28, %get3A_25 : i32
    %get3A_30 = arith.index_cast %select_n3A_29 : i32 to index
    %get3A_31 = arith.constant 0 : index
    %get3A_32 = vector.load %arg3[%get3A_30, %get3A_31] : memref<2048x1024xf32, #tpu.memory_space<vmem>>, vector<1x1024xf32>
    %swap3A_33 = arith.constant 2 : index
    %swap3A_34 = arith.constant 0 : index
    %swap3A_35 = vector.load %arg9[%swap3A_33, %swap3A_34] : memref<32x1024xf32, #tpu.memory_space<vmem>>, vector<1x1024xf32>
    tpu.vector_store %arg9[%swap3A_33, %swap3A_34], %get3A_32 {strides = array<i32>} : memref<32x1024xf32, #tpu.memory_space<vmem>>, vector<1x1024xf32>,
    %get3A_36 = arith.index_cast %arg0 : i32 to index
    %get3A_37 = arith.constant 3 : index
    %get3A_38 = memref.load %arg1[%get3A_36, %get3A_37] : memref<64x32xi32, #tpu.memory_space<smem>>
    %ge3A_39 = arith.constant 2048 : i32
    %ge3A_40 = arith.cmpi sge, %get3A_38, %ge3A_39 : i32
    %jit3A_41 = arith.constant 0 : i32
    %select_n3A_42 = arith.select %ge3A_40, %jit3A_41, %get3A_38 : i32
    %get3A_43 = arith.index_cast %select_n3A_42 : i32 to index
    %get3A_44 = arith.constant 0 : index
    %get3A_45 = vector.load %arg3[%get3A_43, %get3A_44] : memref<2048x1024xf32, #tpu.memory_space<vmem>>, vector<1x1024xf32>
    %swap3A_46 = arith.constant 3 : index
    %swap3A_47 = arith.constant 0 : index
    %swap3A_48 = vector.load %arg9[%swap3A_46, %swap3A_47] : memref<32x1024xf32, #tpu.memory_space<vmem>>, vector<1x1024xf32>
    tpu.vector_store %arg9[%swap3A_46, %swap3A_47], %get3A_45 {strides = array<i32>} : memref<32x1024xf32, #tpu.memory_space<vmem>>, vector<1x1024xf32>,
    %get3A_49 = arith.index_cast %arg0 : i32 to index
    %get3A_50 = arith.constant 4 : index
    %get3A_51 = memref.load %arg1[%get3A_49, %get3A_50] : memref<64x32xi32, #tpu.memory_space<smem>>
    %ge3A_52 = arith.constant 2048 : i32
    %ge3A_53 = arith.cmpi sge, %get3A_51, %ge3A_52 : i32
    %jit3A_54 = arith.constant 0 : i32
    %select_n3A_55 = arith.select %ge3A_53, %jit3A_54, %get3A_51 : i32
    %get3A_56 = arith.index_cast %select_n3A_55 : i32 to index
    %get3A_57 = arith.constant 0 : index
    %get3A_58 = vector.load %arg3[%get3A_56, %get3A_57] : memref<2048x1024xf32, #tpu.memory_space<vmem>>, vector<1x1024xf32>
    %swap3A_59 = arith.constant 4 : index
    %swap3A_60 = arith.constant 0 : index
    %swap3A_61 = vector.load %arg9[%swap3A_59, %swap3A_60] : memref<32x1024xf32, #tpu.memory_space<vmem>>, vector<1x1024xf32>
    tpu.vector_store %arg9[%swap3A_59, %swap3A_60], %get3A_58 {strides = array<i32>} : memref<32x1024xf32, #tpu.memory_space<vmem>>, vector<1x1024xf32>,
    %get3A_62 = arith.index_cast %arg0 : i32 to index
    %get3A_63 = arith.constant 5 : index
    %get3A_64 = memref.load %arg1[%get3A_62, %get3A_63] : memref<64x32xi32, #tpu.memory_space<smem>>
    %ge3A_65 = arith.constant 2048 : i32
    %ge3A_66 = arith.cmpi sge, %get3A_64, %ge3A_65 : i32
    %jit3A_67 = arith.constant 0 : i32
    %select_n3A_68 = arith.select %ge3A_66, %jit3A_67, %get3A_64 : i32
    %get3A_69 = arith.index_cast %select_n3A_68 : i32 to index
    %get3A_70 = arith.constant 0 : index
    %get3A_71 = vector.load %arg3[%get3A_69, %get3A_70] : memref<2048x1024xf32, #tpu.memory_space<vmem>>, vector<1x1024xf32>
    %swap3A_72 = arith.constant 5 : index
    %swap3A_73 = arith.constant 0 : index
    %swap3A_74 = vector.load %arg9[%swap3A_72, %swap3A_73] : memref<32x1024xf32, #tpu.memory_space<vmem>>, vector<1x1024xf32>
    tpu.vector_store %arg9[%swap3A_72, %swap3A_73], %get3A_71 {strides = array<i32>} : memref<32x1024xf32, #tpu.memory_space<vmem>>, vector<1x1024xf32>,
    %get3A_75 = arith.index_cast %arg0 : i32 to index
    %get3A_76 = arith.constant 6 : index
    %get3A_77 = memref.load %arg1[%get3A_75, %get3A_76] : memref<64x32xi32, #tpu.memory_space<smem>>
    %ge3A_78 = arith.constant 2048 : i32
    %ge3A_79 = arith.cmpi sge, %get3A_77, %ge3A_78 : i32
    %jit3A_80 = arith.constant 0 : i32
    %select_n3A_81 = arith.select %ge3A_79, %jit3A_80, %get3A_77 : i32
    %get3A_82 = arith.index_cast %select_n3A_81 : i32 to index
    %get3A_83 = arith.constant 0 : index
    %get3A_84 = vector.load %arg3[%get3A_82, %get3A_83] : memref<2048x1024xf32, #tpu.memory_space<vmem>>, vector<1x1024xf32>
    %swap3A_85 = arith.constant 6 : index
    %swap3A_86 = arith.constant 0 : index
    %swap3A_87 = vector.load %arg9[%swap3A_85, %swap3A_86] : memref<32x1024xf32, #tpu.memory_space<vmem>>, vector<1x1024xf32>
    tpu.vector_store %arg9[%swap3A_85, %swap3A_86], %get3A_84 {strides = array<i32>} : memref<32x1024xf32, #tpu.memory_space<vmem>>, vector<1x1024xf32>,
    %get3A_88 = arith.index_cast %arg0 : i32 to index
    %get3A_89 = arith.constant 7 : index
    %get3A_90 = memref.load %arg1[%get3A_88, %get3A_89] : memref<64x32xi32, #tpu.memory_space<smem>>
    %ge3A_91 = arith.constant 2048 : i32
    %ge3A_92 = arith.cmpi sge, %get3A_90, %ge3A_91 : i32
    %jit3A_93 = arith.constant 0 : i32
    %select_n3A_94 = arith.select %ge3A_92, %jit3A_93, %get3A_90 : i32
    %get3A_95 = arith.index_cast %select_n3A_94 : i32 to index
    %get3A_96 = arith.constant 0 : index
    %get3A_97 = vector.load %arg3[%get3A_95, %get3A_96] : memref<2048x1024xf32, #tpu.memory_space<vmem>>, vector<1x1024xf32>
    %swap3A_98 = arith.constant 7 : index
    %swap3A_99 = arith.constant 0 : index
    %swap3A_100 = vector.load %arg9[%swap3A_98, %swap3A_99] : memref<32x1024xf32, #tpu.memory_space<vmem>>, vector<1x1024xf32>
    tpu.vector_store %arg9[%swap3A_98, %swap3A_99], %get3A_97 {strides = array<i32>} : memref<32x1024xf32, #tpu.memory_space<vmem>>, vector<1x1024xf32>,
    %get3A_101 = arith.index_cast %arg0 : i32 to index
    %get3A_102 = arith.constant 8 : index
    %get3A_103 = memref.load %arg1[%get3A_101, %get3A_102] : memref<64x32xi32, #tpu.memory_space<smem>>
    %ge3A_104 = arith.constant 2048 : i32
    %ge3A_105 = arith.cmpi sge, %get3A_103, %ge3A_104 : i32
    %jit3A_106 = arith.constant 0 : i32
    %select_n3A_107 = arith.select %ge3A_105, %jit3A_106, %get3A_103 : i32
    %get3A_108 = arith.index_cast %select_n3A_107 : i32 to index
    %get3A_109 = arith.constant 0 : index
    %get3A_110 = vector.load %arg3[%get3A_108, %get3A_109] : memref<2048x1024xf32, #tpu.memory_space<vmem>>, vector<1x1024xf32>
    %swap3A_111 = arith.constant 8 : index
    %swap3A_112 = arith.constant 0 : index
    %swap3A_113 = vector.load %arg9[%swap3A_111, %swap3A_112] : memref<32x1024xf32, #tpu.memory_space<vmem>>, vector<1x1024xf32>
    tpu.vector_store %arg9[%swap3A_111, %swap3A_112], %get3A_110 {strides = array<i32>} : memref<32x1024xf32, #tpu.memory_space<vmem>>, vector<1x1024xf32>,
    %get3A_114 = arith.index_cast %arg0 : i32 to index
    %get3A_115 = arith.constant 9 : index
    %get3A_116 = memref.load %arg1[%get3A_114, %get3A_115] : memref<64x32xi32, #tpu.memory_space<smem>>
    %ge3A_117 = arith.constant 2048 : i32
    %ge3A_118 = arith.cmpi sge, %get3A_116, %ge3A_117 : i32
    %jit3A_119 = arith.constant 0 : i32
    %select_n3A_120 = arith.select %ge3A_118, %jit3A_119, %get3A_116 : i32
    %get3A_121 = arith.index_cast %select_n3A_120 : i32 to index
    %get3A_122 = arith.constant 0 : index
    %get3A_123 = vector.load %arg3[%get3A_121, %get3A_122] : memref<2048x1024xf32, #tpu.memory_space<vmem>>, vector<1x1024xf32>
    %swap3A_124 = arith.constant 9 : index
    %swap3A_125 = arith.constant 0 : index
    %swap3A_126 = vector.load %arg9[%swap3A_124, %swap3A_125] : memref<32x1024xf32, #tpu.memory_space<vmem>>, vector<1x1024xf32>
    tpu.vector_store %arg9[%swap3A_124, %swap3A_125], %get3A_123 {strides = array<i32>} : memref<32x1024xf32, #tpu.memory_space<vmem>>, vector<1x1024xf32>,
    %get3A_127 = arith.index_cast %arg0 : i32 to index
    %get3A_128 = arith.constant 10 : index
    %get3A_129 = memref.load %arg1[%get3A_127, %get3A_128] : memref<64x32xi32, #tpu.memory_space<smem>>
    %ge3A_130 = arith.constant 2048 : i32
    %ge3A_131 = arith.cmpi sge, %get3A_129, %ge3A_130 : i32
    %jit3A_132 = arith.constant 0 : i32
    %select_n3A_133 = arith.select %ge3A_131, %jit3A_132, %get3A_129 : i32
    %get3A_134 = arith.index_cast %select_n3A_133 : i32 to index
    %get3A_135 = arith.constant 0 : index
    %get3A_136 = vector.load %arg3[%get3A_134, %get3A_135] : memref<2048x1024xf32, #tpu.memory_space<vmem>>, vector<1x1024xf32>
    %swap3A_137 = arith.constant 10 : index
    %swap3A_138 = arith.constant 0 : index
    %swap3A_139 = vector.load %arg9[%swap3A_137, %swap3A_138] : memref<32x1024xf32, #tpu.memory_space<vmem>>, vector<1x1024xf32>
    tpu.vector_store %arg9[%swap3A_137, %swap3A_138], %get3A_136 {strides = array<i32>} : memref<32x1024xf32, #tpu.memory_space<vmem>>, vector<1x1024xf32>,
    %get3A_140 = arith.index_cast %arg0 : i32 to index
    %get3A_141 = arith.constant 11 : index
    %get3A_142 = memref.load %arg1[%get3A_140, %get3A_141] : memref<64x32xi32, #tpu.memory_space<smem>>
    %ge3A_143 = arith.constant 2048 : i32
    %ge3A_144 = arith.cmpi sge, %get3A_142, %ge3A_143 : i32
    %jit3A_145 = arith.constant 0 : i32
    %select_n3A_146 = arith.select %ge3A_144, %jit3A_145, %get3A_142 : i32
    %get3A_147 = arith.index_cast %select_n3A_146 : i32 to index
    %get3A_148 = arith.constant 0 : index
    %get3A_149 = vector.load %arg3[%get3A_147, %get3A_148] : memref<2048x1024xf32, #tpu.memory_space<vmem>>, vector<1x1024xf32>
    %swap3A_150 = arith.constant 11 : index
    %swap3A_151 = arith.constant 0 : index
    %swap3A_152 = vector.load %arg9[%swap3A_150, %swap3A_151] : memref<32x1024xf32, #tpu.memory_space<vmem>>, vector<1x1024xf32>
    tpu.vector_store %arg9[%swap3A_150, %swap3A_151], %get3A_149 {strides = array<i32>} : memref<32x1024xf32, #tpu.memory_space<vmem>>, vector<1x1024xf32>,
    %get3A_153 = arith.index_cast %arg0 : i32 to index
    %get3A_154 = arith.constant 12 : index
    %get3A_155 = memref.load %arg1[%get3A_153, %get3A_154] : memref<64x32xi32, #tpu.memory_space<smem>>
    %ge3A_156 = arith.constant 2048 : i32
    %ge3A_157 = arith.cmpi sge, %get3A_155, %ge3A_156 : i32
    %jit3A_158 = arith.constant 0 : i32
    %select_n3A_159 = arith.select %ge3A_157, %jit3A_158, %get3A_155 : i32
    %get3A_160 = arith.index_cast %select_n3A_159 : i32 to index
    %get3A_161 = arith.constant 0 : index
    %get3A_162 = vector.load %arg3[%get3A_160, %get3A_161] : memref<2048x1024xf32, #tpu.memory_space<vmem>>, vector<1x1024xf32>
    %swap3A_163 = arith.constant 12 : index
    %swap3A_164 = arith.constant 0 : index
    %swap3A_165 = vector.load %arg9[%swap3A_163, %swap3A_164] : memref<32x1024xf32, #tpu.memory_space<vmem>>, vector<1x1024xf32>
    tpu.vector_store %arg9[%swap3A_163, %swap3A_164], %get3A_162 {strides = array<i32>} : memref<32x1024xf32, #tpu.memory_space<vmem>>, vector<1x1024xf32>,
    %get3A_166 = arith.index_cast %arg0 : i32 to index
    %get3A_167 = arith.constant 13 : index
    %get3A_168 = memref.load %arg1[%get3A_166, %get3A_167] : memref<64x32xi32, #tpu.memory_space<smem>>
    %ge3A_169 = arith.constant 2048 : i32
    %ge3A_170 = arith.cmpi sge, %get3A_168, %ge3A_169 : i32
    %jit3A_171 = arith.constant 0 : i32
    %select_n3A_172 = arith.select %ge3A_170, %jit3A_171, %get3A_168 : i32
    %get3A_173 = arith.index_cast %select_n3A_172 : i32 to index
    %get3A_174 = arith.constant 0 : index
    %get3A_175 = vector.load %arg3[%get3A_173, %get3A_174] : memref<2048x1024xf32, #tpu.memory_space<vmem>>, vector<1x1024xf32>
    %swap3A_176 = arith.constant 13 : index
    %swap3A_177 = arith.constant 0 : index
    %swap3A_178 = vector.load %arg9[%swap3A_176, %swap3A_177] : memref<32x1024xf32, #tpu.memory_space<vmem>>, vector<1x1024xf32>
    tpu.vector_store %arg9[%swap3A_176, %swap3A_177], %get3A_175 {strides = array<i32>} : memref<32x1024xf32, #tpu.memory_space<vmem>>, vector<1x1024xf32>,
    %get3A_179 = arith.index_cast %arg0 : i32 to index
    %get3A_180 = arith.constant 14 : index
    %get3A_181 = memref.load %arg1[%get3A_179, %get3A_180] : memref<64x32xi32, #tpu.memory_space<smem>>
    %ge3A_182 = arith.constant 2048 : i32
    %ge3A_183 = arith.cmpi sge, %get3A_181, %ge3A_182 : i32
    %jit3A_184 = arith.constant 0 : i32
    %select_n3A_185 = arith.select %ge3A_183, %jit3A_184, %get3A_181 : i32
    %get3A_186 = arith.index_cast %select_n3A_185 : i32 to index
    %get3A_187 = arith.constant 0 : index
    %get3A_188 = vector.load %arg3[%get3A_186, %get3A_187] : memref<2048x1024xf32, #tpu.memory_space<vmem>>, vector<1x1024xf32>
    %swap3A_189 = arith.constant 14 : index
    %swap3A_190 = arith.constant 0 : index
    %swap3A_191 = vector.load %arg9[%swap3A_189, %swap3A_190] : memref<32x1024xf32, #tpu.memory_space<vmem>>, vector<1x1024xf32>
    tpu.vector_store %arg9[%swap3A_189, %swap3A_190], %get3A_188 {strides = array<i32>} : memref<32x1024xf32, #tpu.memory_space<vmem>>, vector<1x1024xf32>,
    %get3A_192 = arith.index_cast %arg0 : i32 to index
    %get3A_193 = arith.constant 15 : index
    %get3A_194 = memref.load %arg1[%get3A_192, %get3A_193] : memref<64x32xi32, #tpu.memory_space<smem>>
    %ge3A_195 = arith.constant 2048 : i32
    %ge3A_196 = arith.cmpi sge, %get3A_194, %ge3A_195 : i32
    %jit3A_197 = arith.constant 0 : i32
    %select_n3A_198 = arith.select %ge3A_196, %jit3A_197, %get3A_194 : i32
    %get3A_199 = arith.index_cast %select_n3A_198 : i32 to index
    %get3A_200 = arith.constant 0 : index
    %get3A_201 = vector.load %arg3[%get3A_199, %get3A_200] : memref<2048x1024xf32, #tpu.memory_space<vmem>>, vector<1x1024xf32>
    %swap3A_202 = arith.constant 15 : index
    %swap3A_203 = arith.constant 0 : index
    %swap3A_204 = vector.load %arg9[%swap3A_202, %swap3A_203] : memref<32x1024xf32, #tpu.memory_space<vmem>>, vector<1x1024xf32>
    tpu.vector_store %arg9[%swap3A_202, %swap3A_203], %get3A_201 {strides = array<i32>} : memref<32x1024xf32, #tpu.memory_space<vmem>>, vector<1x1024xf32>,
    %get3A_205 = arith.index_cast %arg0 : i32 to index
    %get3A_206 = arith.constant 16 : index
    %get3A_207 = memref.load %arg1[%get3A_205, %get3A_206] : memref<64x32xi32, #tpu.memory_space<smem>>
    %ge3A_208 = arith.constant 2048 : i32
    %ge3A_209 = arith.cmpi sge, %get3A_207, %ge3A_208 : i32
    %jit3A_210 = arith.constant 0 : i32
    %select_n3A_211 = arith.select %ge3A_209, %jit3A_210, %get3A_207 : i32
    %get3A_212 = arith.index_cast %select_n3A_211 : i32 to index
    %get3A_213 = arith.constant 0 : index
    %get3A_214 = vector.load %arg3[%get3A_212, %get3A_213] : memref<2048x1024xf32, #tpu.memory_space<vmem>>, vector<1x1024xf32>
    %swap3A_215 = arith.constant 16 : index
    %swap3A_216 = arith.constant 0 : index
    %swap3A_217 = vector.load %arg9[%swap3A_215, %swap3A_216] : memref<32x1024xf32, #tpu.memory_space<vmem>>, vector<1x1024xf32>
    tpu.vector_store %arg9[%swap3A_215, %swap3A_216], %get3A_214 {strides = array<i32>} : memref<32x1024xf32, #tpu.memory_space<vmem>>, vector<1x1024xf32>,
    %get3A_218 = arith.index_cast %arg0 : i32 to index
    %get3A_219 = arith.constant 17 : index
    %get3A_220 = memref.load %arg1[%get3A_218, %get3A_219] : memref<64x32xi32, #tpu.memory_space<smem>>
    %ge3A_221 = arith.constant 2048 : i32
    %ge3A_222 = arith.cmpi sge, %get3A_220, %ge3A_221 : i32
    %jit3A_223 = arith.constant 0 : i32
    %select_n3A_224 = arith.select %ge3A_222, %jit3A_223, %get3A_220 : i32
    %get3A_225 = arith.index_cast %select_n3A_224 : i32 to index
    %get3A_226 = arith.constant 0 : index
    %get3A_227 = vector.load %arg3[%get3A_225, %get3A_226] : memref<2048x1024xf32, #tpu.memory_space<vmem>>, vector<1x1024xf32>
    %swap3A_228 = arith.constant 17 : index
    %swap3A_229 = arith.constant 0 : index
    %swap3A_230 = vector.load %arg9[%swap3A_228, %swap3A_229] : memref<32x1024xf32, #tpu.memory_space<vmem>>, vector<1x1024xf32>
    tpu.vector_store %arg9[%swap3A_228, %swap3A_229], %get3A_227 {strides = array<i32>} : memref<32x1024xf32, #tpu.memory_space<vmem>>, vector<1x1024xf32>,
    %get3A_231 = arith.index_cast %arg0 : i32 to index
    %get3A_232 = arith.constant 18 : index
    %get3A_233 = memref.load %arg1[%get3A_231, %get3A_232] : memref<64x32xi32, #tpu.memory_space<smem>>
    %ge3A_234 = arith.constant 2048 : i32
    %ge3A_235 = arith.cmpi sge, %get3A_233, %ge3A_234 : i32
    %jit3A_236 = arith.constant 0 : i32
    %select_n3A_237 = arith.select %ge3A_235, %jit3A_236, %get3A_233 : i32
    %get3A_238 = arith.index_cast %select_n3A_237 : i32 to index
    %get3A_239 = arith.constant 0 : index
    %get3A_240 = vector.load %arg3[%get3A_238, %get3A_239] : memref<2048x1024xf32, #tpu.memory_space<vmem>>, vector<1x1024xf32>
    %swap3A_241 = arith.constant 18 : index
    %swap3A_242 = arith.constant 0 : index
    %swap3A_243 = vector.load %arg9[%swap3A_241, %swap3A_242] : memref<32x1024xf32, #tpu.memory_space<vmem>>, vector<1x1024xf32>
    tpu.vector_store %arg9[%swap3A_241, %swap3A_242], %get3A_240 {strides = array<i32>} : memref<32x1024xf32, #tpu.memory_space<vmem>>, vector<1x1024xf32>,
    %get3A_244 = arith.index_cast %arg0 : i32 to index
    %get3A_245 = arith.constant 19 : index
    %get3A_246 = memref.load %arg1[%get3A_244, %get3A_245] : memref<64x32xi32, #tpu.memory_space<smem>>
    %ge3A_247 = arith.constant 2048 : i32
    %ge3A_248 = arith.cmpi sge, %get3A_246, %ge3A_247 : i32
    %jit3A_249 = arith.constant 0 : i32
    %select_n3A_250 = arith.select %ge3A_248, %jit3A_249, %get3A_246 : i32
    %get3A_251 = arith.index_cast %select_n3A_250 : i32 to index
    %get3A_252 = arith.constant 0 : index
    %get3A_253 = vector.load %arg3[%get3A_251, %get3A_252] : memref<2048x1024xf32, #tpu.memory_space<vmem>>, vector<1x1024xf32>
    %swap3A_254 = arith.constant 19 : index
    %swap3A_255 = arith.constant 0 : index
    %swap3A_256 = vector.load %arg9[%swap3A_254, %swap3A_255] : memref<32x1024xf32, #tpu.memory_space<vmem>>, vector<1x1024xf32>
    tpu.vector_store %arg9[%swap3A_254, %swap3A_255], %get3A_253 {strides = array<i32>} : memref<32x1024xf32, #tpu.memory_space<vmem>>, vector<1x1024xf32>,
    %get3A_257 = arith.index_cast %arg0 : i32 to index
    %get3A_258 = arith.constant 20 : index
    %get3A_259 = memref.load %arg1[%get3A_257, %get3A_258] : memref<64x32xi32, #tpu.memory_space<smem>>
    %ge3A_260 = arith.constant 2048 : i32
    %ge3A_261 = arith.cmpi sge, %get3A_259, %ge3A_260 : i32
    %jit3A_262 = arith.constant 0 : i32
    %select_n3A_263 = arith.select %ge3A_261, %jit3A_262, %get3A_259 : i32
    %get3A_264 = arith.index_cast %select_n3A_263 : i32 to index
    %get3A_265 = arith.constant 0 : index
    %get3A_266 = vector.load %arg3[%get3A_264, %get3A_265] : memref<2048x1024xf32, #tpu.memory_space<vmem>>, vector<1x1024xf32>
    %swap3A_267 = arith.constant 20 : index
    %swap3A_268 = arith.constant 0 : index
    %swap3A_269 = vector.load %arg9[%swap3A_267, %swap3A_268] : memref<32x1024xf32, #tpu.memory_space<vmem>>, vector<1x1024xf32>
    tpu.vector_store %arg9[%swap3A_267, %swap3A_268], %get3A_266 {strides = array<i32>} : memref<32x1024xf32, #tpu.memory_space<vmem>>, vector<1x1024xf32>,
    %get3A_270 = arith.index_cast %arg0 : i32 to index
    %get3A_271 = arith.constant 21 : index
    %get3A_272 = memref.load %arg1[%get3A_270, %get3A_271] : memref<64x32xi32, #tpu.memory_space<smem>>
    %ge3A_273 = arith.constant 2048 : i32
    %ge3A_274 = arith.cmpi sge, %get3A_272, %ge3A_273 : i32
    %jit3A_275 = arith.constant 0 : i32
    %select_n3A_276 = arith.select %ge3A_274, %jit3A_275, %get3A_272 : i32
    %get3A_277 = arith.index_cast %select_n3A_276 : i32 to index
    %get3A_278 = arith.constant 0 : index
    %get3A_279 = vector.load %arg3[%get3A_277, %get3A_278] : memref<2048x1024xf32, #tpu.memory_space<vmem>>, vector<1x1024xf32>
    %swap3A_280 = arith.constant 21 : index
    %swap3A_281 = arith.constant 0 : index
    %swap3A_282 = vector.load %arg9[%swap3A_280, %swap3A_281] : memref<32x1024xf32, #tpu.memory_space<vmem>>, vector<1x1024xf32>
    tpu.vector_store %arg9[%swap3A_280, %swap3A_281], %get3A_279 {strides = array<i32>} : memref<32x1024xf32, #tpu.memory_space<vmem>>, vector<1x1024xf32>,
    %get3A_283 = arith.index_cast %arg0 : i32 to index
    %get3A_284 = arith.constant 22 : index
    %get3A_285 = memref.load %arg1[%get3A_283, %get3A_284] : memref<64x32xi32, #tpu.memory_space<smem>>
    %ge3A_286 = arith.constant 2048 : i32
    %ge3A_287 = arith.cmpi sge, %get3A_285, %ge3A_286 : i32
    %jit3A_288 = arith.constant 0 : i32
    %select_n3A_289 = arith.select %ge3A_287, %jit3A_288, %get3A_285 : i32
    %get3A_290 = arith.index_cast %select_n3A_289 : i32 to index
    %get3A_291 = arith.constant 0 : index
    %get3A_292 = vector.load %arg3[%get3A_290, %get3A_291] : memref<2048x1024xf32, #tpu.memory_space<vmem>>, vector<1x1024xf32>
    %swap3A_293 = arith.constant 22 : index
    %swap3A_294 = arith.constant 0 : index
    %swap3A_295 = vector.load %arg9[%swap3A_293, %swap3A_294] : memref<32x1024xf32, #tpu.memory_space<vmem>>, vector<1x1024xf32>
    tpu.vector_store %arg9[%swap3A_293, %swap3A_294], %get3A_292 {strides = array<i32>} : memref<32x1024xf32, #tpu.memory_space<vmem>>, vector<1x1024xf32>,
    %get3A_296 = arith.index_cast %arg0 : i32 to index
    %get3A_297 = arith.constant 23 : index
    %get3A_298 = memref.load %arg1[%get3A_296, %get3A_297] : memref<64x32xi32, #tpu.memory_space<smem>>
    %ge3A_299 = arith.constant 2048 : i32
    %ge3A_300 = arith.cmpi sge, %get3A_298, %ge3A_299 : i32
    %jit3A_301 = arith.constant 0 : i32
    %select_n3A_302 = arith.select %ge3A_300, %jit3A_301, %get3A_298 : i32
    %get3A_303 = arith.index_cast %select_n3A_302 : i32 to index
    %get3A_304 = arith.constant 0 : index
    %get3A_305 = vector.load %arg3[%get3A_303, %get3A_304] : memref<2048x1024xf32, #tpu.memory_space<vmem>>, vector<1x1024xf32>
    %swap3A_306 = arith.constant 23 : index
    %swap3A_307 = arith.constant 0 : index
    %swap3A_308 = vector.load %arg9[%swap3A_306, %swap3A_307] : memref<32x1024xf32, #tpu.memory_space<vmem>>, vector<1x1024xf32>
    tpu.vector_store %arg9[%swap3A_306, %swap3A_307], %get3A_305 {strides = array<i32>} : memref<32x1024xf32, #tpu.memory_space<vmem>>, vector<1x1024xf32>,
    %get3A_309 = arith.index_cast %arg0 : i32 to index
    %get3A_310 = arith.constant 24 : index
    %get3A_311 = memref.load %arg1[%get3A_309, %get3A_310] : memref<64x32xi32, #tpu.memory_space<smem>>
    %ge3A_312 = arith.constant 2048 : i32
    %ge3A_313 = arith.cmpi sge, %get3A_311, %ge3A_312 : i32
    %jit3A_314 = arith.constant 0 : i32
    %select_n3A_315 = arith.select %ge3A_313, %jit3A_314, %get3A_311 : i32
    %get3A_316 = arith.index_cast %select_n3A_315 : i32 to index
    %get3A_317 = arith.constant 0 : index
    %get3A_318 = vector.load %arg3[%get3A_316, %get3A_317] : memref<2048x1024xf32, #tpu.memory_space<vmem>>, vector<1x1024xf32>
    %swap3A_319 = arith.constant 24 : index
    %swap3A_320 = arith.constant 0 : index
    %swap3A_321 = vector.load %arg9[%swap3A_319, %swap3A_320] : memref<32x1024xf32, #tpu.memory_space<vmem>>, vector<1x1024xf32>
    tpu.vector_store %arg9[%swap3A_319, %swap3A_320], %get3A_318 {strides = array<i32>} : memref<32x1024xf32, #tpu.memory_space<vmem>>, vector<1x1024xf32>,
    %get3A_322 = arith.index_cast %arg0 : i32 to index
    %get3A_323 = arith.constant 25 : index
    %get3A_324 = memref.load %arg1[%get3A_322, %get3A_323] : memref<64x32xi32, #tpu.memory_space<smem>>
    %ge3A_325 = arith.constant 2048 : i32
    %ge3A_326 = arith.cmpi sge, %get3A_324, %ge3A_325 : i32
    %jit3A_327 = arith.constant 0 : i32
    %select_n3A_328 = arith.select %ge3A_326, %jit3A_327, %get3A_324 : i32
    %get3A_329 = arith.index_cast %select_n3A_328 : i32 to index
    %get3A_330 = arith.constant 0 : index
    %get3A_331 = vector.load %arg3[%get3A_329, %get3A_330] : memref<2048x1024xf32, #tpu.memory_space<vmem>>, vector<1x1024xf32>
    %swap3A_332 = arith.constant 25 : index
    %swap3A_333 = arith.constant 0 : index
    %swap3A_334 = vector.load %arg9[%swap3A_332, %swap3A_333] : memref<32x1024xf32, #tpu.memory_space<vmem>>, vector<1x1024xf32>
    tpu.vector_store %arg9[%swap3A_332, %swap3A_333], %get3A_331 {strides = array<i32>} : memref<32x1024xf32, #tpu.memory_space<vmem>>, vector<1x1024xf32>,
    %get3A_335 = arith.index_cast %arg0 : i32 to index
    %get3A_336 = arith.constant 26 : index
    %get3A_337 = memref.load %arg1[%get3A_335, %get3A_336] : memref<64x32xi32, #tpu.memory_space<smem>>
    %ge3A_338 = arith.constant 2048 : i32
    %ge3A_339 = arith.cmpi sge, %get3A_337, %ge3A_338 : i32
    %jit3A_340 = arith.constant 0 : i32
    %select_n3A_341 = arith.select %ge3A_339, %jit3A_340, %get3A_337 : i32
    %get3A_342 = arith.index_cast %select_n3A_341 : i32 to index
    %get3A_343 = arith.constant 0 : index
    %get3A_344 = vector.load %arg3[%get3A_342, %get3A_343] : memref<2048x1024xf32, #tpu.memory_space<vmem>>, vector<1x1024xf32>
    %swap3A_345 = arith.constant 26 : index
    %swap3A_346 = arith.constant 0 : index
    %swap3A_347 = vector.load %arg9[%swap3A_345, %swap3A_346] : memref<32x1024xf32, #tpu.memory_space<vmem>>, vector<1x1024xf32>
    tpu.vector_store %arg9[%swap3A_345, %swap3A_346], %get3A_344 {strides = array<i32>} : memref<32x1024xf32, #tpu.memory_space<vmem>>, vector<1x1024xf32>,
    %get3A_348 = arith.index_cast %arg0 : i32 to index
    %get3A_349 = arith.constant 27 : index
    %get3A_350 = memref.load %arg1[%get3A_348, %get3A_349] : memref<64x32xi32, #tpu.memory_space<smem>>
    %ge3A_351 = arith.constant 2048 : i32
    %ge3A_352 = arith.cmpi sge, %get3A_350, %ge3A_351 : i32
    %jit3A_353 = arith.constant 0 : i32
    %select_n3A_354 = arith.select %ge3A_352, %jit3A_353, %get3A_350 : i32
    %get3A_355 = arith.index_cast %select_n3A_354 : i32 to index
    %get3A_356 = arith.constant 0 : index
    %get3A_357 = vector.load %arg3[%get3A_355, %get3A_356] : memref<2048x1024xf32, #tpu.memory_space<vmem>>, vector<1x1024xf32>
    %swap3A_358 = arith.constant 27 : index
    %swap3A_359 = arith.constant 0 : index
    %swap3A_360 = vector.load %arg9[%swap3A_358, %swap3A_359] : memref<32x1024xf32, #tpu.memory_space<vmem>>, vector<1x1024xf32>
    tpu.vector_store %arg9[%swap3A_358, %swap3A_359], %get3A_357 {strides = array<i32>} : memref<32x1024xf32, #tpu.memory_space<vmem>>, vector<1x1024xf32>,
    %get3A_361 = arith.index_cast %arg0 : i32 to index
    %get3A_362 = arith.constant 28 : index
    %get3A_363 = memref.load %arg1[%get3A_361, %get3A_362] : memref<64x32xi32, #tpu.memory_space<smem>>
    %ge3A_364 = arith.constant 2048 : i32
    %ge3A_365 = arith.cmpi sge, %get3A_363, %ge3A_364 : i32
    %jit3A_366 = arith.constant 0 : i32
    %select_n3A_367 = arith.select %ge3A_365, %jit3A_366, %get3A_363 : i32
    %get3A_368 = arith.index_cast %select_n3A_367 : i32 to index
    %get3A_369 = arith.constant 0 : index
    %get3A_370 = vector.load %arg3[%get3A_368, %get3A_369] : memref<2048x1024xf32, #tpu.memory_space<vmem>>, vector<1x1024xf32>
    %swap3A_371 = arith.constant 28 : index
    %swap3A_372 = arith.constant 0 : index
    %swap3A_373 = vector.load %arg9[%swap3A_371, %swap3A_372] : memref<32x1024xf32, #tpu.memory_space<vmem>>, vector<1x1024xf32>
    tpu.vector_store %arg9[%swap3A_371, %swap3A_372], %get3A_370 {strides = array<i32>} : memref<32x1024xf32, #tpu.memory_space<vmem>>, vector<1x1024xf32>,
    %get3A_374 = arith.index_cast %arg0 : i32 to index
    %get3A_375 = arith.constant 29 : index
    %get3A_376 = memref.load %arg1[%get3A_374, %get3A_375] : memref<64x32xi32, #tpu.memory_space<smem>>
    %ge3A_377 = arith.constant 2048 : i32
    %ge3A_378 = arith.cmpi sge, %get3A_376, %ge3A_377 : i32
    %jit3A_379 = arith.constant 0 : i32
    %select_n3A_380 = arith.select %ge3A_378, %jit3A_379, %get3A_376 : i32
    %get3A_381 = arith.index_cast %select_n3A_380 : i32 to index
    %get3A_382 = arith.constant 0 : index
    %get3A_383 = vector.load %arg3[%get3A_381, %get3A_382] : memref<2048x1024xf32, #tpu.memory_space<vmem>>, vector<1x1024xf32>
    %swap3A_384 = arith.constant 29 : index
    %swap3A_385 = arith.constant 0 : index
    %swap3A_386 = vector.load %arg9[%swap3A_384, %swap3A_385] : memref<32x1024xf32, #tpu.memory_space<vmem>>, vector<1x1024xf32>
    tpu.vector_store %arg9[%swap3A_384, %swap3A_385], %get3A_383 {strides = array<i32>} : memref<32x1024xf32, #tpu.memory_space<vmem>>, vector<1x1024xf32>,
    %get3A_387 = arith.index_cast %arg0 : i32 to index
    %get3A_388 = arith.constant 30 : index
    %get3A_389 = memref.load %arg1[%get3A_387, %get3A_388] : memref<64x32xi32, #tpu.memory_space<smem>>
    %ge3A_390 = arith.constant 2048 : i32
    %ge3A_391 = arith.cmpi sge, %get3A_389, %ge3A_390 : i32
    %jit3A_392 = arith.constant 0 : i32
    %select_n3A_393 = arith.select %ge3A_391, %jit3A_392, %get3A_389 : i32
    %get3A_394 = arith.index_cast %select_n3A_393 : i32 to index
    %get3A_395 = arith.constant 0 : index
    %get3A_396 = vector.load %arg3[%get3A_394, %get3A_395] : memref<2048x1024xf32, #tpu.memory_space<vmem>>, vector<1x1024xf32>
    %swap3A_397 = arith.constant 30 : index
    %swap3A_398 = arith.constant 0 : index
    %swap3A_399 = vector.load %arg9[%swap3A_397, %swap3A_398] : memref<32x1024xf32, #tpu.memory_space<vmem>>, vector<1x1024xf32>
    tpu.vector_store %arg9[%swap3A_397, %swap3A_398], %get3A_396 {strides = array<i32>} : memref<32x1024xf32, #tpu.memory_space<vmem>>, vector<1x1024xf32>,
    %get3A_400 = arith.index_cast %arg0 : i32 to index
    %get3A_401 = arith.constant 31 : index
    %get3A_402 = memref.load %arg1[%get3A_400, %get3A_401] : memref<64x32xi32, #tpu.memory_space<smem>>
    %ge3A_403 = arith.constant 2048 : i32
    %ge3A_404 = arith.cmpi sge, %get3A_402, %ge3A_403 : i32
    %jit3A_405 = arith.constant 0 : i32
    %select_n3A_406 = arith.select %ge3A_404, %jit3A_405, %get3A_402 : i32
    %get3A_407 = arith.index_cast %select_n3A_406 : i32 to index
    %get3A_408 = arith.constant 0 : index
    %get3A_409 = vector.load %arg3[%get3A_407, %get3A_408] : memref<2048x1024xf32, #tpu.memory_space<vmem>>, vector<1x1024xf32>
    %swap3A_410 = arith.constant 31 : index
    %swap3A_411 = arith.constant 0 : index
    %swap3A_412 = vector.load %arg9[%swap3A_410, %swap3A_411] : memref<32x1024xf32, #tpu.memory_space<vmem>>, vector<1x1024xf32>
    tpu.vector_store %arg9[%swap3A_410, %swap3A_411], %get3A_409 {strides = array<i32>} : memref<32x1024xf32, #tpu.memory_space<vmem>>, vector<1x1024xf32>,
    %get3A_413 = arith.constant 0 : index
    %get3A_414 = arith.constant 0 : index
    %get3A_415 = vector.load %arg9[%get3A_413, %get3A_414] : memref<32x1024xf32, #tpu.memory_space<vmem>>, vector<32x1024xf32>
    %get3A_416 = arith.constant 0 : index
    %get3A_417 = arith.constant 0 : index
    %get3A_418 = arith.constant 0 : index
    %get3A_419 = vector.load %arg4[%get3A_416, %get3A_417, %get3A_418] : memref<1x1024x1024xf32, #tpu.memory_space<vmem>>, vector<1x1024x1024xf32>
    %get3A_420 = vector.shape_cast %get3A_419 : vector<1x1024x1024xf32> to vector<1024x1024xf32>
    %dot_general3A = arith.constant dense<0.000000e+00> : vector<32x1024xf32>
    %dot_general3A_421 = tpu.matmul %get3A_415, %get3A_420, %dot_general3A {dimension_numbers = #tpu.dot_dimension_numbers<[1], [0], [0], [1], [0, 0, 1, 1], [], []>, transpose_lhs_hint = false} : vector<32x1024xf32>, vector<1024x1024xf32>, vector<32x1024xf32> -> vector<32x1024xf32>
    %get3A_422 = arith.constant 0 : index
    %get3A_423 = arith.constant 0 : index
    %get3A_424 = arith.constant 0 : index
    %get3A_425 = vector.load %arg5[%get3A_422, %get3A_423, %get3A_424] : memref<1x1x1024xf32, #tpu.memory_space<vmem>>, vector<1x1x1024xf32>
    %get3A_426 = vector.shape_cast %get3A_425 : vector<1x1x1024xf32> to vector<1x1024xf32>
    %add3A = vector.broadcast %get3A_426 : vector<1x1024xf32> to vector<32x1024xf32>
    %add3A_427 = arith.addf %dot_general3A_421, %add3A : vector<32x1024xf32>
    %max3A = arith.constant 0.000000e+00 : f32
    %max3A_428 = vector.broadcast %max3A : f32 to vector<32x1024xf32>
    %max3A_429 = arith.maximumf %add3A_427, %max3A_428 : vector<32x1024xf32>
    %get3A_430 = arith.constant 0 : index
    %get3A_431 = arith.constant 0 : index
    %get3A_432 = arith.constant 0 : index
    %get3A_433 = vector.load %arg6[%get3A_430, %get3A_431, %get3A_432] : memref<1x1024x1024xf32, #tpu.memory_space<vmem>>, vector<1x1024x1024xf32>
    %get3A_434 = vector.shape_cast %get3A_433 : vector<1x1024x1024xf32> to vector<1024x1024xf32>
    %dot_general3A_435 = arith.constant dense<0.000000e+00> : vector<32x1024xf32>
    %dot_general3A_436 = tpu.matmul %max3A_429, %get3A_434, %dot_general3A_435 {dimension_numbers = #tpu.dot_dimension_numbers<[1], [0], [0], [1], [0, 0, 1, 1], [], []>, transpose_lhs_hint = false} : vector<32x1024xf32>, vector<1024x1024xf32>, vector<32x1024xf32> -> vector<32x1024xf32>
    %get3A_437 = arith.constant 0 : index
    %get3A_438 = arith.constant 0 : index
    %get3A_439 = arith.constant 0 : index
    %get3A_440 = vector.load %arg7[%get3A_437, %get3A_438, %get3A_439] : memref<1x1x1024xf32, #tpu.memory_space<vmem>>, vector<1x1x1024xf32>
    %get3A_441 = vector.shape_cast %get3A_440 : vector<1x1x1024xf32> to vector<1x1024xf32>
    %add3A_442 = vector.broadcast %get3A_441 : vector<1x1024xf32> to vector<32x1024xf32>
    %add3A_443 = arith.addf %dot_general3A_436, %add3A_442 : vector<32x1024xf32>
    %get3A_444 = arith.index_cast %arg0 : i32 to index
    %get3A_445 = arith.constant 0 : index
    %get3A_446 = memref.load %arg1[%get3A_444, %get3A_445] : memref<64x32xi32, #tpu.memory_space<smem>>
    %lt3A = arith.constant 2048 : i32
    %lt3A_447 = arith.cmpi slt, %get3A_446, %lt3A : i32
    %convert_element_type3A_448 = arith.extui %lt3A_447 : i1 to i32
    %cond3A_449 = arith.constant 0 : i32
    %cond3A_450 = arith.cmpi ne, %convert_element_type3A_448, %cond3A_449 : i32
    scf.if %cond3A_450 {
      %slice3A = vector.extract_strided_slice %add3A_443 {offsets = [0, 0], sizes = [1, 1024], strides = [1, 1]} : vector<32x1024xf32> to vector<1x1024xf32>
      %get3A_699 = arith.index_cast %get3A_446 : i32 to index
      %get3A_700 = memref.load %arg2[%get3A_699] : memref<2048xf32, #tpu.memory_space<smem>>
      %mul3A = vector.broadcast %get3A_700 : f32 to vector<1x1024xf32>
      %mul3A_701 = arith.mulf %slice3A, %mul3A : vector<1x1024xf32>
      %swap3A_702 = arith.index_cast %get3A_446 : i32 to index
      %swap3A_703 = arith.constant 0 : index
      %swap3A_704 = vector.load %arg8[%swap3A_702, %swap3A_703] : memref<2048x1024xf32, #tpu.memory_space<vmem>>, vector<1x1024xf32>
      tpu.vector_store %arg8[%swap3A_702, %swap3A_703], %mul3A_701 {strides = array<i32>} : memref<2048x1024xf32, #tpu.memory_space<vmem>>, vector<1x1024xf32>,
    } else {
    }
    %get3A_451 = arith.index_cast %arg0 : i32 to index
    %get3A_452 = arith.constant 1 : index
    %get3A_453 = memref.load %arg1[%get3A_451, %get3A_452] : memref<64x32xi32, #tpu.memory_space<smem>>
    %lt3A_454 = arith.constant 2048 : i32
    %lt3A_455 = arith.cmpi slt, %get3A_453, %lt3A_454 : i32
    %convert_element_type3A_456 = arith.extui %lt3A_455 : i1 to i32
    %cond3A_457 = arith.constant 0 : i32
    %cond3A_458 = arith.cmpi ne, %convert_element_type3A_456, %cond3A_457 : i32
    scf.if %cond3A_458 {
      %slice3A = vector.extract_strided_slice %add3A_443 {offsets = [1, 0], sizes = [1, 1024], strides = [1, 1]} : vector<32x1024xf32> to vector<1x1024xf32>
      %get3A_699 = arith.index_cast %get3A_453 : i32 to index
      %get3A_700 = memref.load %arg2[%get3A_699] : memref<2048xf32, #tpu.memory_space<smem>>
      %mul3A = vector.broadcast %get3A_700 : f32 to vector<1x1024xf32>
      %mul3A_701 = arith.mulf %slice3A, %mul3A : vector<1x1024xf32>
      %swap3A_702 = arith.index_cast %get3A_453 : i32 to index
      %swap3A_703 = arith.constant 0 : index
      %swap3A_704 = vector.load %arg8[%swap3A_702, %swap3A_703] : memref<2048x1024xf32, #tpu.memory_space<vmem>>, vector<1x1024xf32>
      tpu.vector_store %arg8[%swap3A_702, %swap3A_703], %mul3A_701 {strides = array<i32>} : memref<2048x1024xf32, #tpu.memory_space<vmem>>, vector<1x1024xf32>,
    } else {
    }
    %get3A_459 = arith.index_cast %arg0 : i32 to index
    %get3A_460 = arith.constant 2 : index
    %get3A_461 = memref.load %arg1[%get3A_459, %get3A_460] : memref<64x32xi32, #tpu.memory_space<smem>>
    %lt3A_462 = arith.constant 2048 : i32
    %lt3A_463 = arith.cmpi slt, %get3A_461, %lt3A_462 : i32
    %convert_element_type3A_464 = arith.extui %lt3A_463 : i1 to i32
    %cond3A_465 = arith.constant 0 : i32
    %cond3A_466 = arith.cmpi ne, %convert_element_type3A_464, %cond3A_465 : i32
    scf.if %cond3A_466 {
      %slice3A = vector.extract_strided_slice %add3A_443 {offsets = [2, 0], sizes = [1, 1024], strides = [1, 1]} : vector<32x1024xf32> to vector<1x1024xf32>
      %get3A_699 = arith.index_cast %get3A_461 : i32 to index
      %get3A_700 = memref.load %arg2[%get3A_699] : memref<2048xf32, #tpu.memory_space<smem>>
      %mul3A = vector.broadcast %get3A_700 : f32 to vector<1x1024xf32>
      %mul3A_701 = arith.mulf %slice3A, %mul3A : vector<1x1024xf32>
      %swap3A_702 = arith.index_cast %get3A_461 : i32 to index
      %swap3A_703 = arith.constant 0 : index
      %swap3A_704 = vector.load %arg8[%swap3A_702, %swap3A_703] : memref<2048x1024xf32, #tpu.memory_space<vmem>>, vector<1x1024xf32>
      tpu.vector_store %arg8[%swap3A_702, %swap3A_703], %mul3A_701 {strides = array<i32>} : memref<2048x1024xf32, #tpu.memory_space<vmem>>, vector<1x1024xf32>,
    } else {
    }
    %get3A_467 = arith.index_cast %arg0 : i32 to index
    %get3A_468 = arith.constant 3 : index
    %get3A_469 = memref.load %arg1[%get3A_467, %get3A_468] : memref<64x32xi32, #tpu.memory_space<smem>>
    %lt3A_470 = arith.constant 2048 : i32
    %lt3A_471 = arith.cmpi slt, %get3A_469, %lt3A_470 : i32
    %convert_element_type3A_472 = arith.extui %lt3A_471 : i1 to i32
    %cond3A_473 = arith.constant 0 : i32
    %cond3A_474 = arith.cmpi ne, %convert_element_type3A_472, %cond3A_473 : i32
    scf.if %cond3A_474 {
      %slice3A = vector.extract_strided_slice %add3A_443 {offsets = [3, 0], sizes = [1, 1024], strides = [1, 1]} : vector<32x1024xf32> to vector<1x1024xf32>
      %get3A_699 = arith.index_cast %get3A_469 : i32 to index
      %get3A_700 = memref.load %arg2[%get3A_699] : memref<2048xf32, #tpu.memory_space<smem>>
      %mul3A = vector.broadcast %get3A_700 : f32 to vector<1x1024xf32>
      %mul3A_701 = arith.mulf %slice3A, %mul3A : vector<1x1024xf32>
      %swap3A_702 = arith.index_cast %get3A_469 : i32 to index
      %swap3A_703 = arith.constant 0 : index
      %swap3A_704 = vector.load %arg8[%swap3A_702, %swap3A_703] : memref<2048x1024xf32, #tpu.memory_space<vmem>>, vector<1x1024xf32>
      tpu.vector_store %arg8[%swap3A_702, %swap3A_703], %mul3A_701 {strides = array<i32>} : memref<2048x1024xf32, #tpu.memory_space<vmem>>, vector<1x1024xf32>,
    } else {
    }
    %get3A_475 = arith.index_cast %arg0 : i32 to index
    %get3A_476 = arith.constant 4 : index
    %get3A_477 = memref.load %arg1[%get3A_475, %get3A_476] : memref<64x32xi32, #tpu.memory_space<smem>>
    %lt3A_478 = arith.constant 2048 : i32
    %lt3A_479 = arith.cmpi slt, %get3A_477, %lt3A_478 : i32
    %convert_element_type3A_480 = arith.extui %lt3A_479 : i1 to i32
    %cond3A_481 = arith.constant 0 : i32
    %cond3A_482 = arith.cmpi ne, %convert_element_type3A_480, %cond3A_481 : i32
    scf.if %cond3A_482 {
      %slice3A = vector.extract_strided_slice %add3A_443 {offsets = [4, 0], sizes = [1, 1024], strides = [1, 1]} : vector<32x1024xf32> to vector<1x1024xf32>
      %get3A_699 = arith.index_cast %get3A_477 : i32 to index
      %get3A_700 = memref.load %arg2[%get3A_699] : memref<2048xf32, #tpu.memory_space<smem>>
      %mul3A = vector.broadcast %get3A_700 : f32 to vector<1x1024xf32>
      %mul3A_701 = arith.mulf %slice3A, %mul3A : vector<1x1024xf32>
      %swap3A_702 = arith.index_cast %get3A_477 : i32 to index
      %swap3A_703 = arith.constant 0 : index
      %swap3A_704 = vector.load %arg8[%swap3A_702, %swap3A_703] : memref<2048x1024xf32, #tpu.memory_space<vmem>>, vector<1x1024xf32>
      tpu.vector_store %arg8[%swap3A_702, %swap3A_703], %mul3A_701 {strides = array<i32>} : memref<2048x1024xf32, #tpu.memory_space<vmem>>, vector<1x1024xf32>,
    } else {
    }
    %get3A_483 = arith.index_cast %arg0 : i32 to index
    %get3A_484 = arith.constant 5 : index
    %get3A_485 = memref.load %arg1[%get3A_483, %get3A_484] : memref<64x32xi32, #tpu.memory_space<smem>>
    %lt3A_486 = arith.constant 2048 : i32
    %lt3A_487 = arith.cmpi slt, %get3A_485, %lt3A_486 : i32
    %convert_element_type3A_488 = arith.extui %lt3A_487 : i1 to i32
    %cond3A_489 = arith.constant 0 : i32
    %cond3A_490 = arith.cmpi ne, %convert_element_type3A_488, %cond3A_489 : i32
    scf.if %cond3A_490 {
      %slice3A = vector.extract_strided_slice %add3A_443 {offsets = [5, 0], sizes = [1, 1024], strides = [1, 1]} : vector<32x1024xf32> to vector<1x1024xf32>
      %get3A_699 = arith.index_cast %get3A_485 : i32 to index
      %get3A_700 = memref.load %arg2[%get3A_699] : memref<2048xf32, #tpu.memory_space<smem>>
      %mul3A = vector.broadcast %get3A_700 : f32 to vector<1x1024xf32>
      %mul3A_701 = arith.mulf %slice3A, %mul3A : vector<1x1024xf32>
      %swap3A_702 = arith.index_cast %get3A_485 : i32 to index
      %swap3A_703 = arith.constant 0 : index
      %swap3A_704 = vector.load %arg8[%swap3A_702, %swap3A_703] : memref<2048x1024xf32, #tpu.memory_space<vmem>>, vector<1x1024xf32>
      tpu.vector_store %arg8[%swap3A_702, %swap3A_703], %mul3A_701 {strides = array<i32>} : memref<2048x1024xf32, #tpu.memory_space<vmem>>, vector<1x1024xf32>,
    } else {
    }
    %get3A_491 = arith.index_cast %arg0 : i32 to index
    %get3A_492 = arith.constant 6 : index
    %get3A_493 = memref.load %arg1[%get3A_491, %get3A_492] : memref<64x32xi32, #tpu.memory_space<smem>>
    %lt3A_494 = arith.constant 2048 : i32
    %lt3A_495 = arith.cmpi slt, %get3A_493, %lt3A_494 : i32
    %convert_element_type3A_496 = arith.extui %lt3A_495 : i1 to i32
    %cond3A_497 = arith.constant 0 : i32
    %cond3A_498 = arith.cmpi ne, %convert_element_type3A_496, %cond3A_497 : i32
    scf.if %cond3A_498 {
      %slice3A = vector.extract_strided_slice %add3A_443 {offsets = [6, 0], sizes = [1, 1024], strides = [1, 1]} : vector<32x1024xf32> to vector<1x1024xf32>
      %get3A_699 = arith.index_cast %get3A_493 : i32 to index
      %get3A_700 = memref.load %arg2[%get3A_699] : memref<2048xf32, #tpu.memory_space<smem>>
      %mul3A = vector.broadcast %get3A_700 : f32 to vector<1x1024xf32>
      %mul3A_701 = arith.mulf %slice3A, %mul3A : vector<1x1024xf32>
      %swap3A_702 = arith.index_cast %get3A_493 : i32 to index
      %swap3A_703 = arith.constant 0 : index
      %swap3A_704 = vector.load %arg8[%swap3A_702, %swap3A_703] : memref<2048x1024xf32, #tpu.memory_space<vmem>>, vector<1x1024xf32>
      tpu.vector_store %arg8[%swap3A_702, %swap3A_703], %mul3A_701 {strides = array<i32>} : memref<2048x1024xf32, #tpu.memory_space<vmem>>, vector<1x1024xf32>,
    } else {
    }
    %get3A_499 = arith.index_cast %arg0 : i32 to index
    %get3A_500 = arith.constant 7 : index
    %get3A_501 = memref.load %arg1[%get3A_499, %get3A_500] : memref<64x32xi32, #tpu.memory_space<smem>>
    %lt3A_502 = arith.constant 2048 : i32
    %lt3A_503 = arith.cmpi slt, %get3A_501, %lt3A_502 : i32
    %convert_element_type3A_504 = arith.extui %lt3A_503 : i1 to i32
    %cond3A_505 = arith.constant 0 : i32
    %cond3A_506 = arith.cmpi ne, %convert_element_type3A_504, %cond3A_505 : i32
    scf.if %cond3A_506 {
      %slice3A = vector.extract_strided_slice %add3A_443 {offsets = [7, 0], sizes = [1, 1024], strides = [1, 1]} : vector<32x1024xf32> to vector<1x1024xf32>
      %get3A_699 = arith.index_cast %get3A_501 : i32 to index
      %get3A_700 = memref.load %arg2[%get3A_699] : memref<2048xf32, #tpu.memory_space<smem>>
      %mul3A = vector.broadcast %get3A_700 : f32 to vector<1x1024xf32>
      %mul3A_701 = arith.mulf %slice3A, %mul3A : vector<1x1024xf32>
      %swap3A_702 = arith.index_cast %get3A_501 : i32 to index
      %swap3A_703 = arith.constant 0 : index
      %swap3A_704 = vector.load %arg8[%swap3A_702, %swap3A_703] : memref<2048x1024xf32, #tpu.memory_space<vmem>>, vector<1x1024xf32>
      tpu.vector_store %arg8[%swap3A_702, %swap3A_703], %mul3A_701 {strides = array<i32>} : memref<2048x1024xf32, #tpu.memory_space<vmem>>, vector<1x1024xf32>,
    } else {
    }
    %get3A_507 = arith.index_cast %arg0 : i32 to index
    %get3A_508 = arith.constant 8 : index
    %get3A_509 = memref.load %arg1[%get3A_507, %get3A_508] : memref<64x32xi32, #tpu.memory_space<smem>>
    %lt3A_510 = arith.constant 2048 : i32
    %lt3A_511 = arith.cmpi slt, %get3A_509, %lt3A_510 : i32
    %convert_element_type3A_512 = arith.extui %lt3A_511 : i1 to i32
    %cond3A_513 = arith.constant 0 : i32
    %cond3A_514 = arith.cmpi ne, %convert_element_type3A_512, %cond3A_513 : i32
    scf.if %cond3A_514 {
      %slice3A = vector.extract_strided_slice %add3A_443 {offsets = [8, 0], sizes = [1, 1024], strides = [1, 1]} : vector<32x1024xf32> to vector<1x1024xf32>
      %get3A_699 = arith.index_cast %get3A_509 : i32 to index
      %get3A_700 = memref.load %arg2[%get3A_699] : memref<2048xf32, #tpu.memory_space<smem>>
      %mul3A = vector.broadcast %get3A_700 : f32 to vector<1x1024xf32>
      %mul3A_701 = arith.mulf %slice3A, %mul3A : vector<1x1024xf32>
      %swap3A_702 = arith.index_cast %get3A_509 : i32 to index
      %swap3A_703 = arith.constant 0 : index
      %swap3A_704 = vector.load %arg8[%swap3A_702, %swap3A_703] : memref<2048x1024xf32, #tpu.memory_space<vmem>>, vector<1x1024xf32>
      tpu.vector_store %arg8[%swap3A_702, %swap3A_703], %mul3A_701 {strides = array<i32>} : memref<2048x1024xf32, #tpu.memory_space<vmem>>, vector<1x1024xf32>,
    } else {
    }
    %get3A_515 = arith.index_cast %arg0 : i32 to index
    %get3A_516 = arith.constant 9 : index
    %get3A_517 = memref.load %arg1[%get3A_515, %get3A_516] : memref<64x32xi32, #tpu.memory_space<smem>>
    %lt3A_518 = arith.constant 2048 : i32
    %lt3A_519 = arith.cmpi slt, %get3A_517, %lt3A_518 : i32
    %convert_element_type3A_520 = arith.extui %lt3A_519 : i1 to i32
    %cond3A_521 = arith.constant 0 : i32
    %cond3A_522 = arith.cmpi ne, %convert_element_type3A_520, %cond3A_521 : i32
    scf.if %cond3A_522 {
      %slice3A = vector.extract_strided_slice %add3A_443 {offsets = [9, 0], sizes = [1, 1024], strides = [1, 1]} : vector<32x1024xf32> to vector<1x1024xf32>
      %get3A_699 = arith.index_cast %get3A_517 : i32 to index
      %get3A_700 = memref.load %arg2[%get3A_699] : memref<2048xf32, #tpu.memory_space<smem>>
      %mul3A = vector.broadcast %get3A_700 : f32 to vector<1x1024xf32>
      %mul3A_701 = arith.mulf %slice3A, %mul3A : vector<1x1024xf32>
      %swap3A_702 = arith.index_cast %get3A_517 : i32 to index
      %swap3A_703 = arith.constant 0 : index
      %swap3A_704 = vector.load %arg8[%swap3A_702, %swap3A_703] : memref<2048x1024xf32, #tpu.memory_space<vmem>>, vector<1x1024xf32>
      tpu.vector_store %arg8[%swap3A_702, %swap3A_703], %mul3A_701 {strides = array<i32>} : memref<2048x1024xf32, #tpu.memory_space<vmem>>, vector<1x1024xf32>,
    } else {
    }
    %get3A_523 = arith.index_cast %arg0 : i32 to index
    %get3A_524 = arith.constant 10 : index
    %get3A_525 = memref.load %arg1[%get3A_523, %get3A_524] : memref<64x32xi32, #tpu.memory_space<smem>>
    %lt3A_526 = arith.constant 2048 : i32
    %lt3A_527 = arith.cmpi slt, %get3A_525, %lt3A_526 : i32
    %convert_element_type3A_528 = arith.extui %lt3A_527 : i1 to i32
    %cond3A_529 = arith.constant 0 : i32
    %cond3A_530 = arith.cmpi ne, %convert_element_type3A_528, %cond3A_529 : i32
    scf.if %cond3A_530 {
      %slice3A = vector.extract_strided_slice %add3A_443 {offsets = [10, 0], sizes = [1, 1024], strides = [1, 1]} : vector<32x1024xf32> to vector<1x1024xf32>
      %get3A_699 = arith.index_cast %get3A_525 : i32 to index
      %get3A_700 = memref.load %arg2[%get3A_699] : memref<2048xf32, #tpu.memory_space<smem>>
      %mul3A = vector.broadcast %get3A_700 : f32 to vector<1x1024xf32>
      %mul3A_701 = arith.mulf %slice3A, %mul3A : vector<1x1024xf32>
      %swap3A_702 = arith.index_cast %get3A_525 : i32 to index
      %swap3A_703 = arith.constant 0 : index
      %swap3A_704 = vector.load %arg8[%swap3A_702, %swap3A_703] : memref<2048x1024xf32, #tpu.memory_space<vmem>>, vector<1x1024xf32>
      tpu.vector_store %arg8[%swap3A_702, %swap3A_703], %mul3A_701 {strides = array<i32>} : memref<2048x1024xf32, #tpu.memory_space<vmem>>, vector<1x1024xf32>,
    } else {
    }
    %get3A_531 = arith.index_cast %arg0 : i32 to index
    %get3A_532 = arith.constant 11 : index
    %get3A_533 = memref.load %arg1[%get3A_531, %get3A_532] : memref<64x32xi32, #tpu.memory_space<smem>>
    %lt3A_534 = arith.constant 2048 : i32
    %lt3A_535 = arith.cmpi slt, %get3A_533, %lt3A_534 : i32
    %convert_element_type3A_536 = arith.extui %lt3A_535 : i1 to i32
    %cond3A_537 = arith.constant 0 : i32
    %cond3A_538 = arith.cmpi ne, %convert_element_type3A_536, %cond3A_537 : i32
    scf.if %cond3A_538 {
      %slice3A = vector.extract_strided_slice %add3A_443 {offsets = [11, 0], sizes = [1, 1024], strides = [1, 1]} : vector<32x1024xf32> to vector<1x1024xf32>
      %get3A_699 = arith.index_cast %get3A_533 : i32 to index
      %get3A_700 = memref.load %arg2[%get3A_699] : memref<2048xf32, #tpu.memory_space<smem>>
      %mul3A = vector.broadcast %get3A_700 : f32 to vector<1x1024xf32>
      %mul3A_701 = arith.mulf %slice3A, %mul3A : vector<1x1024xf32>
      %swap3A_702 = arith.index_cast %get3A_533 : i32 to index
      %swap3A_703 = arith.constant 0 : index
      %swap3A_704 = vector.load %arg8[%swap3A_702, %swap3A_703] : memref<2048x1024xf32, #tpu.memory_space<vmem>>, vector<1x1024xf32>
      tpu.vector_store %arg8[%swap3A_702, %swap3A_703], %mul3A_701 {strides = array<i32>} : memref<2048x1024xf32, #tpu.memory_space<vmem>>, vector<1x1024xf32>,
    } else {
    }
    %get3A_539 = arith.index_cast %arg0 : i32 to index
    %get3A_540 = arith.constant 12 : index
    %get3A_541 = memref.load %arg1[%get3A_539, %get3A_540] : memref<64x32xi32, #tpu.memory_space<smem>>
    %lt3A_542 = arith.constant 2048 : i32
    %lt3A_543 = arith.cmpi slt, %get3A_541, %lt3A_542 : i32
    %convert_element_type3A_544 = arith.extui %lt3A_543 : i1 to i32
    %cond3A_545 = arith.constant 0 : i32
    %cond3A_546 = arith.cmpi ne, %convert_element_type3A_544, %cond3A_545 : i32
    scf.if %cond3A_546 {
      %slice3A = vector.extract_strided_slice %add3A_443 {offsets = [12, 0], sizes = [1, 1024], strides = [1, 1]} : vector<32x1024xf32> to vector<1x1024xf32>
      %get3A_699 = arith.index_cast %get3A_541 : i32 to index
      %get3A_700 = memref.load %arg2[%get3A_699] : memref<2048xf32, #tpu.memory_space<smem>>
      %mul3A = vector.broadcast %get3A_700 : f32 to vector<1x1024xf32>
      %mul3A_701 = arith.mulf %slice3A, %mul3A : vector<1x1024xf32>
      %swap3A_702 = arith.index_cast %get3A_541 : i32 to index
      %swap3A_703 = arith.constant 0 : index
      %swap3A_704 = vector.load %arg8[%swap3A_702, %swap3A_703] : memref<2048x1024xf32, #tpu.memory_space<vmem>>, vector<1x1024xf32>
      tpu.vector_store %arg8[%swap3A_702, %swap3A_703], %mul3A_701 {strides = array<i32>} : memref<2048x1024xf32, #tpu.memory_space<vmem>>, vector<1x1024xf32>,
    } else {
    }
    %get3A_547 = arith.index_cast %arg0 : i32 to index
    %get3A_548 = arith.constant 13 : index
    %get3A_549 = memref.load %arg1[%get3A_547, %get3A_548] : memref<64x32xi32, #tpu.memory_space<smem>>
    %lt3A_550 = arith.constant 2048 : i32
    %lt3A_551 = arith.cmpi slt, %get3A_549, %lt3A_550 : i32
    %convert_element_type3A_552 = arith.extui %lt3A_551 : i1 to i32
    %cond3A_553 = arith.constant 0 : i32
    %cond3A_554 = arith.cmpi ne, %convert_element_type3A_552, %cond3A_553 : i32
    scf.if %cond3A_554 {
      %slice3A = vector.extract_strided_slice %add3A_443 {offsets = [13, 0], sizes = [1, 1024], strides = [1, 1]} : vector<32x1024xf32> to vector<1x1024xf32>
      %get3A_699 = arith.index_cast %get3A_549 : i32 to index
      %get3A_700 = memref.load %arg2[%get3A_699] : memref<2048xf32, #tpu.memory_space<smem>>
      %mul3A = vector.broadcast %get3A_700 : f32 to vector<1x1024xf32>
      %mul3A_701 = arith.mulf %slice3A, %mul3A : vector<1x1024xf32>
      %swap3A_702 = arith.index_cast %get3A_549 : i32 to index
      %swap3A_703 = arith.constant 0 : index
      %swap3A_704 = vector.load %arg8[%swap3A_702, %swap3A_703] : memref<2048x1024xf32, #tpu.memory_space<vmem>>, vector<1x1024xf32>
      tpu.vector_store %arg8[%swap3A_702, %swap3A_703], %mul3A_701 {strides = array<i32>} : memref<2048x1024xf32, #tpu.memory_space<vmem>>, vector<1x1024xf32>,
    } else {
    }
    %get3A_555 = arith.index_cast %arg0 : i32 to index
    %get3A_556 = arith.constant 14 : index
    %get3A_557 = memref.load %arg1[%get3A_555, %get3A_556] : memref<64x32xi32, #tpu.memory_space<smem>>
    %lt3A_558 = arith.constant 2048 : i32
    %lt3A_559 = arith.cmpi slt, %get3A_557, %lt3A_558 : i32
    %convert_element_type3A_560 = arith.extui %lt3A_559 : i1 to i32
    %cond3A_561 = arith.constant 0 : i32
    %cond3A_562 = arith.cmpi ne, %convert_element_type3A_560, %cond3A_561 : i32
    scf.if %cond3A_562 {
      %slice3A = vector.extract_strided_slice %add3A_443 {offsets = [14, 0], sizes = [1, 1024], strides = [1, 1]} : vector<32x1024xf32> to vector<1x1024xf32>
      %get3A_699 = arith.index_cast %get3A_557 : i32 to index
      %get3A_700 = memref.load %arg2[%get3A_699] : memref<2048xf32, #tpu.memory_space<smem>>
      %mul3A = vector.broadcast %get3A_700 : f32 to vector<1x1024xf32>
      %mul3A_701 = arith.mulf %slice3A, %mul3A : vector<1x1024xf32>
      %swap3A_702 = arith.index_cast %get3A_557 : i32 to index
      %swap3A_703 = arith.constant 0 : index
      %swap3A_704 = vector.load %arg8[%swap3A_702, %swap3A_703] : memref<2048x1024xf32, #tpu.memory_space<vmem>>, vector<1x1024xf32>
      tpu.vector_store %arg8[%swap3A_702, %swap3A_703], %mul3A_701 {strides = array<i32>} : memref<2048x1024xf32, #tpu.memory_space<vmem>>, vector<1x1024xf32>,
    } else {
    }
    %get3A_563 = arith.index_cast %arg0 : i32 to index
    %get3A_564 = arith.constant 15 : index
    %get3A_565 = memref.load %arg1[%get3A_563, %get3A_564] : memref<64x32xi32, #tpu.memory_space<smem>>
    %lt3A_566 = arith.constant 2048 : i32
    %lt3A_567 = arith.cmpi slt, %get3A_565, %lt3A_566 : i32
    %convert_element_type3A_568 = arith.extui %lt3A_567 : i1 to i32
    %cond3A_569 = arith.constant 0 : i32
    %cond3A_570 = arith.cmpi ne, %convert_element_type3A_568, %cond3A_569 : i32
    scf.if %cond3A_570 {
      %slice3A = vector.extract_strided_slice %add3A_443 {offsets = [15, 0], sizes = [1, 1024], strides = [1, 1]} : vector<32x1024xf32> to vector<1x1024xf32>
      %get3A_699 = arith.index_cast %get3A_565 : i32 to index
      %get3A_700 = memref.load %arg2[%get3A_699] : memref<2048xf32, #tpu.memory_space<smem>>
      %mul3A = vector.broadcast %get3A_700 : f32 to vector<1x1024xf32>
      %mul3A_701 = arith.mulf %slice3A, %mul3A : vector<1x1024xf32>
      %swap3A_702 = arith.index_cast %get3A_565 : i32 to index
      %swap3A_703 = arith.constant 0 : index
      %swap3A_704 = vector.load %arg8[%swap3A_702, %swap3A_703] : memref<2048x1024xf32, #tpu.memory_space<vmem>>, vector<1x1024xf32>
      tpu.vector_store %arg8[%swap3A_702, %swap3A_703], %mul3A_701 {strides = array<i32>} : memref<2048x1024xf32, #tpu.memory_space<vmem>>, vector<1x1024xf32>,
    } else {
    }
    %get3A_571 = arith.index_cast %arg0 : i32 to index
    %get3A_572 = arith.constant 16 : index
    %get3A_573 = memref.load %arg1[%get3A_571, %get3A_572] : memref<64x32xi32, #tpu.memory_space<smem>>
    %lt3A_574 = arith.constant 2048 : i32
    %lt3A_575 = arith.cmpi slt, %get3A_573, %lt3A_574 : i32
    %convert_element_type3A_576 = arith.extui %lt3A_575 : i1 to i32
    %cond3A_577 = arith.constant 0 : i32
    %cond3A_578 = arith.cmpi ne, %convert_element_type3A_576, %cond3A_577 : i32
    scf.if %cond3A_578 {
      %slice3A = vector.extract_strided_slice %add3A_443 {offsets = [16, 0], sizes = [1, 1024], strides = [1, 1]} : vector<32x1024xf32> to vector<1x1024xf32>
      %get3A_699 = arith.index_cast %get3A_573 : i32 to index
      %get3A_700 = memref.load %arg2[%get3A_699] : memref<2048xf32, #tpu.memory_space<smem>>
      %mul3A = vector.broadcast %get3A_700 : f32 to vector<1x1024xf32>
      %mul3A_701 = arith.mulf %slice3A, %mul3A : vector<1x1024xf32>
      %swap3A_702 = arith.index_cast %get3A_573 : i32 to index
      %swap3A_703 = arith.constant 0 : index
      %swap3A_704 = vector.load %arg8[%swap3A_702, %swap3A_703] : memref<2048x1024xf32, #tpu.memory_space<vmem>>, vector<1x1024xf32>
      tpu.vector_store %arg8[%swap3A_702, %swap3A_703], %mul3A_701 {strides = array<i32>} : memref<2048x1024xf32, #tpu.memory_space<vmem>>, vector<1x1024xf32>,
    } else {
    }
    %get3A_579 = arith.index_cast %arg0 : i32 to index
    %get3A_580 = arith.constant 17 : index
    %get3A_581 = memref.load %arg1[%get3A_579, %get3A_580] : memref<64x32xi32, #tpu.memory_space<smem>>
    %lt3A_582 = arith.constant 2048 : i32
    %lt3A_583 = arith.cmpi slt, %get3A_581, %lt3A_582 : i32
    %convert_element_type3A_584 = arith.extui %lt3A_583 : i1 to i32
    %cond3A_585 = arith.constant 0 : i32
    %cond3A_586 = arith.cmpi ne, %convert_element_type3A_584, %cond3A_585 : i32
    scf.if %cond3A_586 {
      %slice3A = vector.extract_strided_slice %add3A_443 {offsets = [17, 0], sizes = [1, 1024], strides = [1, 1]} : vector<32x1024xf32> to vector<1x1024xf32>
      %get3A_699 = arith.index_cast %get3A_581 : i32 to index
      %get3A_700 = memref.load %arg2[%get3A_699] : memref<2048xf32, #tpu.memory_space<smem>>
      %mul3A = vector.broadcast %get3A_700 : f32 to vector<1x1024xf32>
      %mul3A_701 = arith.mulf %slice3A, %mul3A : vector<1x1024xf32>
      %swap3A_702 = arith.index_cast %get3A_581 : i32 to index
      %swap3A_703 = arith.constant 0 : index
      %swap3A_704 = vector.load %arg8[%swap3A_702, %swap3A_703] : memref<2048x1024xf32, #tpu.memory_space<vmem>>, vector<1x1024xf32>
      tpu.vector_store %arg8[%swap3A_702, %swap3A_703], %mul3A_701 {strides = array<i32>} : memref<2048x1024xf32, #tpu.memory_space<vmem>>, vector<1x1024xf32>,
    } else {
    }
    %get3A_587 = arith.index_cast %arg0 : i32 to index
    %get3A_588 = arith.constant 18 : index
    %get3A_589 = memref.load %arg1[%get3A_587, %get3A_588] : memref<64x32xi32, #tpu.memory_space<smem>>
    %lt3A_590 = arith.constant 2048 : i32
    %lt3A_591 = arith.cmpi slt, %get3A_589, %lt3A_590 : i32
    %convert_element_type3A_592 = arith.extui %lt3A_591 : i1 to i32
    %cond3A_593 = arith.constant 0 : i32
    %cond3A_594 = arith.cmpi ne, %convert_element_type3A_592, %cond3A_593 : i32
    scf.if %cond3A_594 {
      %slice3A = vector.extract_strided_slice %add3A_443 {offsets = [18, 0], sizes = [1, 1024], strides = [1, 1]} : vector<32x1024xf32> to vector<1x1024xf32>
      %get3A_699 = arith.index_cast %get3A_589 : i32 to index
      %get3A_700 = memref.load %arg2[%get3A_699] : memref<2048xf32, #tpu.memory_space<smem>>
      %mul3A = vector.broadcast %get3A_700 : f32 to vector<1x1024xf32>
      %mul3A_701 = arith.mulf %slice3A, %mul3A : vector<1x1024xf32>
      %swap3A_702 = arith.index_cast %get3A_589 : i32 to index
      %swap3A_703 = arith.constant 0 : index
      %swap3A_704 = vector.load %arg8[%swap3A_702, %swap3A_703] : memref<2048x1024xf32, #tpu.memory_space<vmem>>, vector<1x1024xf32>
      tpu.vector_store %arg8[%swap3A_702, %swap3A_703], %mul3A_701 {strides = array<i32>} : memref<2048x1024xf32, #tpu.memory_space<vmem>>, vector<1x1024xf32>,
    } else {
    }
    %get3A_595 = arith.index_cast %arg0 : i32 to index
    %get3A_596 = arith.constant 19 : index
    %get3A_597 = memref.load %arg1[%get3A_595, %get3A_596] : memref<64x32xi32, #tpu.memory_space<smem>>
    %lt3A_598 = arith.constant 2048 : i32
    %lt3A_599 = arith.cmpi slt, %get3A_597, %lt3A_598 : i32
    %convert_element_type3A_600 = arith.extui %lt3A_599 : i1 to i32
    %cond3A_601 = arith.constant 0 : i32
    %cond3A_602 = arith.cmpi ne, %convert_element_type3A_600, %cond3A_601 : i32
    scf.if %cond3A_602 {
      %slice3A = vector.extract_strided_slice %add3A_443 {offsets = [19, 0], sizes = [1, 1024], strides = [1, 1]} : vector<32x1024xf32> to vector<1x1024xf32>
      %get3A_699 = arith.index_cast %get3A_597 : i32 to index
      %get3A_700 = memref.load %arg2[%get3A_699] : memref<2048xf32, #tpu.memory_space<smem>>
      %mul3A = vector.broadcast %get3A_700 : f32 to vector<1x1024xf32>
      %mul3A_701 = arith.mulf %slice3A, %mul3A : vector<1x1024xf32>
      %swap3A_702 = arith.index_cast %get3A_597 : i32 to index
      %swap3A_703 = arith.constant 0 : index
      %swap3A_704 = vector.load %arg8[%swap3A_702, %swap3A_703] : memref<2048x1024xf32, #tpu.memory_space<vmem>>, vector<1x1024xf32>
      tpu.vector_store %arg8[%swap3A_702, %swap3A_703], %mul3A_701 {strides = array<i32>} : memref<2048x1024xf32, #tpu.memory_space<vmem>>, vector<1x1024xf32>,
    } else {
    }
    %get3A_603 = arith.index_cast %arg0 : i32 to index
    %get3A_604 = arith.constant 20 : index
    %get3A_605 = memref.load %arg1[%get3A_603, %get3A_604] : memref<64x32xi32, #tpu.memory_space<smem>>
    %lt3A_606 = arith.constant 2048 : i32
    %lt3A_607 = arith.cmpi slt, %get3A_605, %lt3A_606 : i32
    %convert_element_type3A_608 = arith.extui %lt3A_607 : i1 to i32
    %cond3A_609 = arith.constant 0 : i32
    %cond3A_610 = arith.cmpi ne, %convert_element_type3A_608, %cond3A_609 : i32
    scf.if %cond3A_610 {
      %slice3A = vector.extract_strided_slice %add3A_443 {offsets = [20, 0], sizes = [1, 1024], strides = [1, 1]} : vector<32x1024xf32> to vector<1x1024xf32>
      %get3A_699 = arith.index_cast %get3A_605 : i32 to index
      %get3A_700 = memref.load %arg2[%get3A_699] : memref<2048xf32, #tpu.memory_space<smem>>
      %mul3A = vector.broadcast %get3A_700 : f32 to vector<1x1024xf32>
      %mul3A_701 = arith.mulf %slice3A, %mul3A : vector<1x1024xf32>
      %swap3A_702 = arith.index_cast %get3A_605 : i32 to index
      %swap3A_703 = arith.constant 0 : index
      %swap3A_704 = vector.load %arg8[%swap3A_702, %swap3A_703] : memref<2048x1024xf32, #tpu.memory_space<vmem>>, vector<1x1024xf32>
      tpu.vector_store %arg8[%swap3A_702, %swap3A_703], %mul3A_701 {strides = array<i32>} : memref<2048x1024xf32, #tpu.memory_space<vmem>>, vector<1x1024xf32>,
    } else {
    }
    %get3A_611 = arith.index_cast %arg0 : i32 to index
    %get3A_612 = arith.constant 21 : index
    %get3A_613 = memref.load %arg1[%get3A_611, %get3A_612] : memref<64x32xi32, #tpu.memory_space<smem>>
    %lt3A_614 = arith.constant 2048 : i32
    %lt3A_615 = arith.cmpi slt, %get3A_613, %lt3A_614 : i32
    %convert_element_type3A_616 = arith.extui %lt3A_615 : i1 to i32
    %cond3A_617 = arith.constant 0 : i32
    %cond3A_618 = arith.cmpi ne, %convert_element_type3A_616, %cond3A_617 : i32
    scf.if %cond3A_618 {
      %slice3A = vector.extract_strided_slice %add3A_443 {offsets = [21, 0], sizes = [1, 1024], strides = [1, 1]} : vector<32x1024xf32> to vector<1x1024xf32>
      %get3A_699 = arith.index_cast %get3A_613 : i32 to index
      %get3A_700 = memref.load %arg2[%get3A_699] : memref<2048xf32, #tpu.memory_space<smem>>
      %mul3A = vector.broadcast %get3A_700 : f32 to vector<1x1024xf32>
      %mul3A_701 = arith.mulf %slice3A, %mul3A : vector<1x1024xf32>
      %swap3A_702 = arith.index_cast %get3A_613 : i32 to index
      %swap3A_703 = arith.constant 0 : index
      %swap3A_704 = vector.load %arg8[%swap3A_702, %swap3A_703] : memref<2048x1024xf32, #tpu.memory_space<vmem>>, vector<1x1024xf32>
      tpu.vector_store %arg8[%swap3A_702, %swap3A_703], %mul3A_701 {strides = array<i32>} : memref<2048x1024xf32, #tpu.memory_space<vmem>>, vector<1x1024xf32>,
    } else {
    }
    %get3A_619 = arith.index_cast %arg0 : i32 to index
    %get3A_620 = arith.constant 22 : index
    %get3A_621 = memref.load %arg1[%get3A_619, %get3A_620] : memref<64x32xi32, #tpu.memory_space<smem>>
    %lt3A_622 = arith.constant 2048 : i32
    %lt3A_623 = arith.cmpi slt, %get3A_621, %lt3A_622 : i32
    %convert_element_type3A_624 = arith.extui %lt3A_623 : i1 to i32
    %cond3A_625 = arith.constant 0 : i32
    %cond3A_626 = arith.cmpi ne, %convert_element_type3A_624, %cond3A_625 : i32
    scf.if %cond3A_626 {
      %slice3A = vector.extract_strided_slice %add3A_443 {offsets = [22, 0], sizes = [1, 1024], strides = [1, 1]} : vector<32x1024xf32> to vector<1x1024xf32>
      %get3A_699 = arith.index_cast %get3A_621 : i32 to index
      %get3A_700 = memref.load %arg2[%get3A_699] : memref<2048xf32, #tpu.memory_space<smem>>
      %mul3A = vector.broadcast %get3A_700 : f32 to vector<1x1024xf32>
      %mul3A_701 = arith.mulf %slice3A, %mul3A : vector<1x1024xf32>
      %swap3A_702 = arith.index_cast %get3A_621 : i32 to index
      %swap3A_703 = arith.constant 0 : index
      %swap3A_704 = vector.load %arg8[%swap3A_702, %swap3A_703] : memref<2048x1024xf32, #tpu.memory_space<vmem>>, vector<1x1024xf32>
      tpu.vector_store %arg8[%swap3A_702, %swap3A_703], %mul3A_701 {strides = array<i32>} : memref<2048x1024xf32, #tpu.memory_space<vmem>>, vector<1x1024xf32>,
    } else {
    }
    %get3A_627 = arith.index_cast %arg0 : i32 to index
    %get3A_628 = arith.constant 23 : index
    %get3A_629 = memref.load %arg1[%get3A_627, %get3A_628] : memref<64x32xi32, #tpu.memory_space<smem>>
    %lt3A_630 = arith.constant 2048 : i32
    %lt3A_631 = arith.cmpi slt, %get3A_629, %lt3A_630 : i32
    %convert_element_type3A_632 = arith.extui %lt3A_631 : i1 to i32
    %cond3A_633 = arith.constant 0 : i32
    %cond3A_634 = arith.cmpi ne, %convert_element_type3A_632, %cond3A_633 : i32
    scf.if %cond3A_634 {
      %slice3A = vector.extract_strided_slice %add3A_443 {offsets = [23, 0], sizes = [1, 1024], strides = [1, 1]} : vector<32x1024xf32> to vector<1x1024xf32>
      %get3A_699 = arith.index_cast %get3A_629 : i32 to index
      %get3A_700 = memref.load %arg2[%get3A_699] : memref<2048xf32, #tpu.memory_space<smem>>
      %mul3A = vector.broadcast %get3A_700 : f32 to vector<1x1024xf32>
      %mul3A_701 = arith.mulf %slice3A, %mul3A : vector<1x1024xf32>
      %swap3A_702 = arith.index_cast %get3A_629 : i32 to index
      %swap3A_703 = arith.constant 0 : index
      %swap3A_704 = vector.load %arg8[%swap3A_702, %swap3A_703] : memref<2048x1024xf32, #tpu.memory_space<vmem>>, vector<1x1024xf32>
      tpu.vector_store %arg8[%swap3A_702, %swap3A_703], %mul3A_701 {strides = array<i32>} : memref<2048x1024xf32, #tpu.memory_space<vmem>>, vector<1x1024xf32>,
    } else {
    }
    %get3A_635 = arith.index_cast %arg0 : i32 to index
    %get3A_636 = arith.constant 24 : index
    %get3A_637 = memref.load %arg1[%get3A_635, %get3A_636] : memref<64x32xi32, #tpu.memory_space<smem>>
    %lt3A_638 = arith.constant 2048 : i32
    %lt3A_639 = arith.cmpi slt, %get3A_637, %lt3A_638 : i32
    %convert_element_type3A_640 = arith.extui %lt3A_639 : i1 to i32
    %cond3A_641 = arith.constant 0 : i32
    %cond3A_642 = arith.cmpi ne, %convert_element_type3A_640, %cond3A_641 : i32
    scf.if %cond3A_642 {
      %slice3A = vector.extract_strided_slice %add3A_443 {offsets = [24, 0], sizes = [1, 1024], strides = [1, 1]} : vector<32x1024xf32> to vector<1x1024xf32>
      %get3A_699 = arith.index_cast %get3A_637 : i32 to index
      %get3A_700 = memref.load %arg2[%get3A_699] : memref<2048xf32, #tpu.memory_space<smem>>
      %mul3A = vector.broadcast %get3A_700 : f32 to vector<1x1024xf32>
      %mul3A_701 = arith.mulf %slice3A, %mul3A : vector<1x1024xf32>
      %swap3A_702 = arith.index_cast %get3A_637 : i32 to index
      %swap3A_703 = arith.constant 0 : index
      %swap3A_704 = vector.load %arg8[%swap3A_702, %swap3A_703] : memref<2048x1024xf32, #tpu.memory_space<vmem>>, vector<1x1024xf32>
      tpu.vector_store %arg8[%swap3A_702, %swap3A_703], %mul3A_701 {strides = array<i32>} : memref<2048x1024xf32, #tpu.memory_space<vmem>>, vector<1x1024xf32>,
    } else {
    }
    %get3A_643 = arith.index_cast %arg0 : i32 to index
    %get3A_644 = arith.constant 25 : index
    %get3A_645 = memref.load %arg1[%get3A_643, %get3A_644] : memref<64x32xi32, #tpu.memory_space<smem>>
    %lt3A_646 = arith.constant 2048 : i32
    %lt3A_647 = arith.cmpi slt, %get3A_645, %lt3A_646 : i32
    %convert_element_type3A_648 = arith.extui %lt3A_647 : i1 to i32
    %cond3A_649 = arith.constant 0 : i32
    %cond3A_650 = arith.cmpi ne, %convert_element_type3A_648, %cond3A_649 : i32
    scf.if %cond3A_650 {
      %slice3A = vector.extract_strided_slice %add3A_443 {offsets = [25, 0], sizes = [1, 1024], strides = [1, 1]} : vector<32x1024xf32> to vector<1x1024xf32>
      %get3A_699 = arith.index_cast %get3A_645 : i32 to index
      %get3A_700 = memref.load %arg2[%get3A_699] : memref<2048xf32, #tpu.memory_space<smem>>
      %mul3A = vector.broadcast %get3A_700 : f32 to vector<1x1024xf32>
      %mul3A_701 = arith.mulf %slice3A, %mul3A : vector<1x1024xf32>
      %swap3A_702 = arith.index_cast %get3A_645 : i32 to index
      %swap3A_703 = arith.constant 0 : index
      %swap3A_704 = vector.load %arg8[%swap3A_702, %swap3A_703] : memref<2048x1024xf32, #tpu.memory_space<vmem>>, vector<1x1024xf32>
      tpu.vector_store %arg8[%swap3A_702, %swap3A_703], %mul3A_701 {strides = array<i32>} : memref<2048x1024xf32, #tpu.memory_space<vmem>>, vector<1x1024xf32>,
    } else {
    }
    %get3A_651 = arith.index_cast %arg0 : i32 to index
    %get3A_652 = arith.constant 26 : index
    %get3A_653 = memref.load %arg1[%get3A_651, %get3A_652] : memref<64x32xi32, #tpu.memory_space<smem>>
    %lt3A_654 = arith.constant 2048 : i32
    %lt3A_655 = arith.cmpi slt, %get3A_653, %lt3A_654 : i32
    %convert_element_type3A_656 = arith.extui %lt3A_655 : i1 to i32
    %cond3A_657 = arith.constant 0 : i32
    %cond3A_658 = arith.cmpi ne, %convert_element_type3A_656, %cond3A_657 : i32
    scf.if %cond3A_658 {
      %slice3A = vector.extract_strided_slice %add3A_443 {offsets = [26, 0], sizes = [1, 1024], strides = [1, 1]} : vector<32x1024xf32> to vector<1x1024xf32>
      %get3A_699 = arith.index_cast %get3A_653 : i32 to index
      %get3A_700 = memref.load %arg2[%get3A_699] : memref<2048xf32, #tpu.memory_space<smem>>
      %mul3A = vector.broadcast %get3A_700 : f32 to vector<1x1024xf32>
      %mul3A_701 = arith.mulf %slice3A, %mul3A : vector<1x1024xf32>
      %swap3A_702 = arith.index_cast %get3A_653 : i32 to index
      %swap3A_703 = arith.constant 0 : index
      %swap3A_704 = vector.load %arg8[%swap3A_702, %swap3A_703] : memref<2048x1024xf32, #tpu.memory_space<vmem>>, vector<1x1024xf32>
      tpu.vector_store %arg8[%swap3A_702, %swap3A_703], %mul3A_701 {strides = array<i32>} : memref<2048x1024xf32, #tpu.memory_space<vmem>>, vector<1x1024xf32>,
    } else {
    }
    %get3A_659 = arith.index_cast %arg0 : i32 to index
    %get3A_660 = arith.constant 27 : index
    %get3A_661 = memref.load %arg1[%get3A_659, %get3A_660] : memref<64x32xi32, #tpu.memory_space<smem>>
    %lt3A_662 = arith.constant 2048 : i32
    %lt3A_663 = arith.cmpi slt, %get3A_661, %lt3A_662 : i32
    %convert_element_type3A_664 = arith.extui %lt3A_663 : i1 to i32
    %cond3A_665 = arith.constant 0 : i32
    %cond3A_666 = arith.cmpi ne, %convert_element_type3A_664, %cond3A_665 : i32
    scf.if %cond3A_666 {
      %slice3A = vector.extract_strided_slice %add3A_443 {offsets = [27, 0], sizes = [1, 1024], strides = [1, 1]} : vector<32x1024xf32> to vector<1x1024xf32>
      %get3A_699 = arith.index_cast %get3A_661 : i32 to index
      %get3A_700 = memref.load %arg2[%get3A_699] : memref<2048xf32, #tpu.memory_space<smem>>
      %mul3A = vector.broadcast %get3A_700 : f32 to vector<1x1024xf32>
      %mul3A_701 = arith.mulf %slice3A, %mul3A : vector<1x1024xf32>
      %swap3A_702 = arith.index_cast %get3A_661 : i32 to index
      %swap3A_703 = arith.constant 0 : index
      %swap3A_704 = vector.load %arg8[%swap3A_702, %swap3A_703] : memref<2048x1024xf32, #tpu.memory_space<vmem>>, vector<1x1024xf32>
      tpu.vector_store %arg8[%swap3A_702, %swap3A_703], %mul3A_701 {strides = array<i32>} : memref<2048x1024xf32, #tpu.memory_space<vmem>>, vector<1x1024xf32>,
    } else {
    }
    %get3A_667 = arith.index_cast %arg0 : i32 to index
    %get3A_668 = arith.constant 28 : index
    %get3A_669 = memref.load %arg1[%get3A_667, %get3A_668] : memref<64x32xi32, #tpu.memory_space<smem>>
    %lt3A_670 = arith.constant 2048 : i32
    %lt3A_671 = arith.cmpi slt, %get3A_669, %lt3A_670 : i32
    %convert_element_type3A_672 = arith.extui %lt3A_671 : i1 to i32
    %cond3A_673 = arith.constant 0 : i32
    %cond3A_674 = arith.cmpi ne, %convert_element_type3A_672, %cond3A_673 : i32
    scf.if %cond3A_674 {
      %slice3A = vector.extract_strided_slice %add3A_443 {offsets = [28, 0], sizes = [1, 1024], strides = [1, 1]} : vector<32x1024xf32> to vector<1x1024xf32>
      %get3A_699 = arith.index_cast %get3A_669 : i32 to index
      %get3A_700 = memref.load %arg2[%get3A_699] : memref<2048xf32, #tpu.memory_space<smem>>
      %mul3A = vector.broadcast %get3A_700 : f32 to vector<1x1024xf32>
      %mul3A_701 = arith.mulf %slice3A, %mul3A : vector<1x1024xf32>
      %swap3A_702 = arith.index_cast %get3A_669 : i32 to index
      %swap3A_703 = arith.constant 0 : index
      %swap3A_704 = vector.load %arg8[%swap3A_702, %swap3A_703] : memref<2048x1024xf32, #tpu.memory_space<vmem>>, vector<1x1024xf32>
      tpu.vector_store %arg8[%swap3A_702, %swap3A_703], %mul3A_701 {strides = array<i32>} : memref<2048x1024xf32, #tpu.memory_space<vmem>>, vector<1x1024xf32>,
    } else {
    }
    %get3A_675 = arith.index_cast %arg0 : i32 to index
    %get3A_676 = arith.constant 29 : index
    %get3A_677 = memref.load %arg1[%get3A_675, %get3A_676] : memref<64x32xi32, #tpu.memory_space<smem>>
    %lt3A_678 = arith.constant 2048 : i32
    %lt3A_679 = arith.cmpi slt, %get3A_677, %lt3A_678 : i32
    %convert_element_type3A_680 = arith.extui %lt3A_679 : i1 to i32
    %cond3A_681 = arith.constant 0 : i32
    %cond3A_682 = arith.cmpi ne, %convert_element_type3A_680, %cond3A_681 : i32
    scf.if %cond3A_682 {
      %slice3A = vector.extract_strided_slice %add3A_443 {offsets = [29, 0], sizes = [1, 1024], strides = [1, 1]} : vector<32x1024xf32> to vector<1x1024xf32>
      %get3A_699 = arith.index_cast %get3A_677 : i32 to index
      %get3A_700 = memref.load %arg2[%get3A_699] : memref<2048xf32, #tpu.memory_space<smem>>
      %mul3A = vector.broadcast %get3A_700 : f32 to vector<1x1024xf32>
      %mul3A_701 = arith.mulf %slice3A, %mul3A : vector<1x1024xf32>
      %swap3A_702 = arith.index_cast %get3A_677 : i32 to index
      %swap3A_703 = arith.constant 0 : index
      %swap3A_704 = vector.load %arg8[%swap3A_702, %swap3A_703] : memref<2048x1024xf32, #tpu.memory_space<vmem>>, vector<1x1024xf32>
      tpu.vector_store %arg8[%swap3A_702, %swap3A_703], %mul3A_701 {strides = array<i32>} : memref<2048x1024xf32, #tpu.memory_space<vmem>>, vector<1x1024xf32>,
    } else {
    }
    %get3A_683 = arith.index_cast %arg0 : i32 to index
    %get3A_684 = arith.constant 30 : index
    %get3A_685 = memref.load %arg1[%get3A_683, %get3A_684] : memref<64x32xi32, #tpu.memory_space<smem>>
    %lt3A_686 = arith.constant 2048 : i32
    %lt3A_687 = arith.cmpi slt, %get3A_685, %lt3A_686 : i32
    %convert_element_type3A_688 = arith.extui %lt3A_687 : i1 to i32
    %cond3A_689 = arith.constant 0 : i32
    %cond3A_690 = arith.cmpi ne, %convert_element_type3A_688, %cond3A_689 : i32
    scf.if %cond3A_690 {
      %slice3A = vector.extract_strided_slice %add3A_443 {offsets = [30, 0], sizes = [1, 1024], strides = [1, 1]} : vector<32x1024xf32> to vector<1x1024xf32>
      %get3A_699 = arith.index_cast %get3A_685 : i32 to index
      %get3A_700 = memref.load %arg2[%get3A_699] : memref<2048xf32, #tpu.memory_space<smem>>
      %mul3A = vector.broadcast %get3A_700 : f32 to vector<1x1024xf32>
      %mul3A_701 = arith.mulf %slice3A, %mul3A : vector<1x1024xf32>
      %swap3A_702 = arith.index_cast %get3A_685 : i32 to index
      %swap3A_703 = arith.constant 0 : index
      %swap3A_704 = vector.load %arg8[%swap3A_702, %swap3A_703] : memref<2048x1024xf32, #tpu.memory_space<vmem>>, vector<1x1024xf32>
      tpu.vector_store %arg8[%swap3A_702, %swap3A_703], %mul3A_701 {strides = array<i32>} : memref<2048x1024xf32, #tpu.memory_space<vmem>>, vector<1x1024xf32>,
    } else {
    }
    %get3A_691 = arith.index_cast %arg0 : i32 to index
    %get3A_692 = arith.constant 31 : index
    %get3A_693 = memref.load %arg1[%get3A_691, %get3A_692] : memref<64x32xi32, #tpu.memory_space<smem>>
    %lt3A_694 = arith.constant 2048 : i32
    %lt3A_695 = arith.cmpi slt, %get3A_693, %lt3A_694 : i32
    %convert_element_type3A_696 = arith.extui %lt3A_695 : i1 to i32
    %cond3A_697 = arith.constant 0 : i32
    %cond3A_698 = arith.cmpi ne, %convert_element_type3A_696, %cond3A_697 : i32
    scf.if %cond3A_698 {
      %slice3A = vector.extract_strided_slice %add3A_443 {offsets = [31, 0], sizes = [1, 1024], strides = [1, 1]} : vector<32x1024xf32> to vector<1x1024xf32>
      %get3A_699 = arith.index_cast %get3A_693 : i32 to index
      %get3A_700 = memref.load %arg2[%get3A_699] : memref<2048xf32, #tpu.memory_space<smem>>
      %mul3A = vector.broadcast %get3A_700 : f32 to vector<1x1024xf32>
      %mul3A_701 = arith.mulf %slice3A, %mul3A : vector<1x1024xf32>
      %swap3A_702 = arith.index_cast %get3A_693 : i32 to index
      %swap3A_703 = arith.constant 0 : index
      %swap3A_704 = vector.load %arg8[%swap3A_702, %swap3A_703] : memref<2048x1024xf32, #tpu.memory_space<vmem>>, vector<1x1024xf32>
      tpu.vector_store %arg8[%swap3A_702, %swap3A_703], %mul3A_701 {strides = array<i32>} : memref<2048x1024xf32, #tpu.memory_space<vmem>>, vector<1x1024xf32>,
    } else {
    }
    return
  }
  func.func @transform_0(%arg0: i32, %arg1: memref<64x32xi32, #tpu.memory_space<smem>>, %arg2: memref<2048xf32, #tpu.memory_space<smem>>) -> (i32, i32) {
    %c0_i32 = arith.constant 0 : i32
    %c0_i32_0 = arith.constant 0 : i32
    %c0_i32_1 = arith.constant 0 : i32
    return %c0_i32, %c0_i32_0 : i32, i32
  }
  func.func @transform_1(%arg0: i32, %arg1: memref<64x32xi32, #tpu.memory_space<smem>>, %arg2: memref<2048xf32, #tpu.memory_space<smem>>) -> (i32, i32, i32) {
    %c0_i32 = arith.constant 0 : i32
    %c0_i32_0 = arith.constant 0 : i32
    %c0_i32_1 = arith.constant 0 : i32
    return %arg0, %c0_i32, %c0_i32_0 : i32, i32, i32
  }
  func.func @transform_2(%arg0: i32, %arg1: memref<64x32xi32, #tpu.memory_space<smem>>, %arg2: memref<2048xf32, #tpu.memory_space<smem>>) -> (i32, i32, i32) {
    %c0_i32 = arith.constant 0 : i32
    %c0_i32_0 = arith.constant 0 : i32
    %c0_i32_1 = arith.constant 0 : i32
    return %arg0, %c0_i32, %c0_i32_0 : i32, i32, i32
  }
  func.func @transform_3(%arg0: i32, %arg1: memref<64x32xi32, #tpu.memory_space<smem>>, %arg2: memref<2048xf32, #tpu.memory_space<smem>>) -> (i32, i32, i32) {
    %c0_i32 = arith.constant 0 : i32
    %c0_i32_0 = arith.constant 0 : i32
    %c0_i32_1 = arith.constant 0 : i32
    return %arg0, %c0_i32, %c0_i32_0 : i32, i32, i32
  }
  func.func @transform_4(%arg0: i32, %arg1: memref<64x32xi32, #tpu.memory_space<smem>>, %arg2: memref<2048xf32, #tpu.memory_space<smem>>) -> (i32, i32, i32) {
    %c0_i32 = arith.constant 0 : i32
    %c0_i32_0 = arith.constant 0 : i32
    %c0_i32_1 = arith.constant 0 : i32
    return %arg0, %c0_i32, %c0_i32_0 : i32, i32, i32
  }
  func.func @transform_5(%arg0: i32, %arg1: memref<64x32xi32, #tpu.memory_space<smem>>, %arg2: memref<2048xf32, #tpu.memory_space<smem>>) -> (i32, i32) {
    %c0_i32 = arith.constant 0 : i32
    %c0_i32_0 = arith.constant 0 : i32
    %c0_i32_1 = arith.constant 0 : i32
    return %c0_i32, %c0_i32_0 : i32, i32
  }
}

</mosaic_0001>

<sc_bundles>
// kernel: kernel.4.cloned.1.call-start
scs
__scs_entry_jumppad:
0x0: {  	(pc) =	sbr.rel $0x88, $3  }
0x1: {  	(tag) =	ssettag $0x0;
	lr =	simm.s32 $0x1  }
0x2: {  	[smem:$0x3F9B] =	sst lr;
	_ =	strace $0xD0000000  }
0x3: {  	_ = 	snop  }
0x4: {  	_ = 	snop  }
0x5: {  	_ = 	snop  }
0x6: {  	_ = 	snop  }
0x7: {  	_ = 	snop  }
__scs_overlays_trampoline_lowered:
0x8: {  	[smem:$0x3FAA] =	sst s0  }
0x9: {  	[smem:$0x3FAB] =	sst s1  }
0xa: {  	[smem:$0x3FAC] =	sst s2  }
0xb: {  	[smem:$0x3FAD] =	sst s3  }
0xc: {  	[smem:$0x3FAE] =	sst s4  }
0xd: {  	[smem:$0x3FAF] =	sst s5  }
0xe: {  	[smem:$0x3FB0] =	sst s6  }
0xf: {  	[smem:$0x3FB1] =	sst s7  }
0x10: {  	[smem:$0x3FB2] =	sst s8  }
0x11: {  	[smem:$0x3FB3] =	sst s9;
	s0 =	simm.s32 @!p0 $0x0  }
0x12: {  	s1 =	sld [smem:$0x3F99];
	s0 =	simm.s32 @p0 $0x1  }
0x13: {  	[smem:$0x3FB4] =	sst s0;
	s0 =	simm.s32 @!p1 $0x0  }
0x14: {  	s2 =	sld [smem:$0x3F98];
	s0 =	simm.s32 @p1 $0x1  }
0x15: {  	[smem:$0x3FB5] =	sst s0;
	s0 =	simm.s32 @!p2 $0x0  }
0x16: {  	s3 =	sld [smem:$0x3FDB];
	s0 =	simm.s32 @p2 $0x1  }
0x17: {  	s4 =	simm.s32 $0x1BF5;
	[smem:$0x3FB7] =	sst s0  }
0x18: {  	s0 =	sld [smem:$0x3F9A];
	_ =	swait.ge [sflag:s4], $0x0  }
0x19: {  	s7 =	sld [smem:$0x3F9B]  }
0x1a: {  	s8 =	sadd.s32 $0xFFFFE003, lr  }
0x1b: {  	s9 =	sadd.s32 $0xFFFFFEF7, lr;
	s5 =	simm.s32 $0xFFFFFFFF;
	p2 =	slt.u32 s8, $0xFFFFF086  }
0x1c: {  	p1 =	slt.u32 s9, $0xF7A;
	s5 =	simm.s32 @!p2 $0x0  }
0x1d: {  	s5 =	simm.s32 @p1 $0x1;
	p0 =	seq.s32 s7, s2  }
0x1e: {  	s7 =	smul.u32 @!p0 $0xF7A, s2;
	p2 =	seq.s32 @!p0 s5, $0x0  }
0x1f: {  	s9 =	smul.u32 $0xF7A, s1;
	s8 =	simm.s32 @!p0 $0x1BF5;
	p2 =	por !p2, p0  }
0x20: {  	[sflag:s8] =	ssyncset.s32 @!p0 $0xFFFFF086;
	s6 =	sadd.s32 @!p0 s3, s7;
	s7 =	simm.s32 @!p0 $0x108  }
0x21: {  	s3 =	sadd.s32 s3, s9;
	s6 =	sadd.s32 @!p0 $0x88, s6;
	s7 =	simm.s32 @p2 $0x1082  }
0x22: {  	[simem:s7], [sflag:s8] =	dma.local @!p0 [hbm:s6], $0xF7A  }
0x23: {  	s9 =	sor.u32 $0xD0000000, s2;
	s6 =	simm.s32 $0x108;
	_ =	swait.ge @!p0 [sflag:s8], $0x0  }
0x24: {  	s3 =	sadd.s32 $0x88, s3;
	s6 =	simm.s32 @!p1 $0x1082;
	[sflag:s4] =	ssyncset.s32 $0xFFFFF086  }
0x25: {  	[simem:s6], [sflag:s4] =	dma.local [hbm:s3], $0xF7A  }
0x26: {  	[smem:$0x3F9B] =	sst s1;
	(tag) =	ssettag s2;
	_ =	strace s9  }
0x27: {  	s1 =	sld [smem:$0x3FAB]  }
0x28: {  	s2 =	sld [smem:$0x3FAC]  }
0x29: {  	s4 =	sld [smem:$0x3FAE]  }
0x2a: {  	p0 =	seq.s32 s5, $0x0;
	s5 =	sld [smem:$0x3FAF]  }
0x2b: {  	s6 =	sld [smem:$0x3FB0]  }
0x2c: {  	s7 =	sld [smem:$0x3FB1]  }
0x2d: {  	s3 =	simm.s32 $0x108;
	s8 =	sld [smem:$0x3FB2]  }
0x2e: {  	s3 =	simm.s32 @!p0 $0x1082;
	s9 =	sld [smem:$0x3FB3]  }
0x2f: {  	lr =	sadd.s32 s0, s3;
	s0 =	sld [smem:$0x3FAA]  }
0x30: {  	s3 =	sld [smem:$0x3FAD]  }
0x31: {  	[smem:$0x3FB6] =	sst s10  }
0x32: {  	s10 =	sld [smem:$0x3FB4];
	_ =	sdelay $0x3  }
0x33: {  	p0 =	seq.s32 s10, $0x1;
	s10 =	sld [smem:$0x3FB6];
	_ =	sdelay $0x3  }
0x34: {  	[smem:$0x3FB6] =	sst s10  }
0x35: {  	s10 =	sld [smem:$0x3FB5];
	_ =	sdelay $0x3  }
0x36: {  	p1 =	seq.s32 s10, $0x1;
	s10 =	sld [smem:$0x3FB6];
	_ =	sdelay $0x3  }
0x37: {  	[smem:$0x3FB6] =	sst s10  }
0x38: {  	s10 =	sld [smem:$0x3FB7]  }
0x39: {  	_ = 	snop;
	(pc) =	sbr.ind lr, $3  }
0x3a: {  	_ = 	snop  }
0x3b: {  	_ = 	snop  }
0x3c: {  	p2 =	seq.s32 s10, $0x1;
	s10 =	sld [smem:$0x3FB6]  }
0x3d: {  	_ =	shalt  }
0x3e: {  	_ =	shalt  }
0x3f: {  	_ =	shalt  }
0x40: {  	_ =	shalt  }
0x41: {  	_ =	shalt  }
0x42: {  	_ =	shalt  }
0x43: {  	_ =	shalt  }
0x44: {  	_ =	shalt  }
0x45: {  	_ =	shalt  }
0x46: {  	_ =	shalt  }
0x47: {  	_ =	shalt  }
0x48: {  	_ =	shalt  }
0x49: {  	_ =	shalt  }
0x4a: {  	_ =	shalt  }
0x4b: {  	_ =	shalt  }
0x4c: {  	_ =	shalt  }
0x4d: {  	_ =	shalt  }
0x4e: {  	_ =	shalt  }
0x4f: {  	_ =	shalt  }
0x50: {  	_ =	shalt  }
0x51: {  	_ =	shalt  }
0x52: {  	_ =	shalt  }
0x53: {  	_ =	shalt  }
0x54: {  	_ =	shalt  }
0x55: {  	_ =	shalt  }
0x56: {  	_ =	shalt  }
0x57: {  	_ =	shalt  }
0x58: {  	_ =	shalt  }
0x59: {  	_ =	shalt  }
0x5a: {  	_ =	shalt  }
0x5b: {  	_ =	shalt  }
0x5c: {  	_ =	shalt  }
0x5d: {  	_ =	shalt  }
0x5e: {  	_ =	shalt  }
0x5f: {  	_ =	shalt  }
0x60: {  	_ =	shalt  }
0x61: {  	_ =	shalt  }
0x62: {  	_ =	shalt  }
0x63: {  	_ =	shalt  }
0x64: {  	_ =	shalt  }
0x65: {  	_ =	shalt  }
0x66: {  	_ =	shalt  }
0x67: {  	_ =	shalt  }
0x68: {  	_ =	shalt  }
0x69: {  	_ =	shalt  }
0x6a: {  	_ =	shalt  }
0x6b: {  	_ =	shalt  }
0x6c: {  	_ =	shalt  }
0x6d: {  	_ =	shalt  }
0x6e: {  	_ =	shalt  }
0x6f: {  	_ =	shalt  }
0x70: {  	_ =	shalt  }
0x71: {  	_ =	shalt  }
0x72: {  	_ =	shalt  }
0x73: {  	_ =	shalt  }
0x74: {  	_ =	shalt  }
0x75: {  	_ =	shalt  }
0x76: {  	_ =	shalt  }
0x77: {  	_ =	shalt  }
0x78: {  	_ =	shalt  }
0x79: {  	_ =	shalt  }
0x7a: {  	_ =	shalt  }
0x7b: {  	_ =	shalt  }
0x7c: {  	_ =	shalt  }
0x7d: {  	_ =	shalt  }
0x7e: {  	_ =	shalt  }
0x7f: {  	_ =	shalt  }
0x80: {  	_ =	shalt  }
0x81: {  	_ =	shalt  }
0x82: {  	_ =	shalt  }
0x83: {  	_ =	shalt  }
0x84: {  	_ =	shalt  }
0x85: {  	_ =	shalt  }
0x86: {  	_ =	shalt  }
0x87: {  	_ =	shalt  }
.Lfunc_end0:
.L_simem_size_0:
called_computation_lowered:
.L_overlay_start_0:
0x88: {  	s2 =	sld [smem:$0x3FD9]  }
0x89: {  	s3 =	sld [smem:$0x3FFE];
	_ =	sdelay $0x1  }
0x8a: {  	s1 =	srdreg.scid  }
0x8b: {  	s0 =	sand.u32 $0x1, s1  }
0x8c: {  	s17 =	sshll.u32 s0, $0xA;
	s2 =	sadd.s32 s3, s2  }
0x8d: {  	s2 =	sadd.s32 s2, s17  }
0x8e: {  	[smem:$0x3FC2] =	sst s2  }
0x8f: {  	_ = 	snop  }
0x90: {  	s2 =	sld [smem:$0x3FD0];
	(tm) =	ssettm $0x1  }
0x91: {  	s18 =	sld [smem:$0x3FFB];
	_ =	sdelay $0x3  }
0x92: {  	_ =	strace s18  }
0x93: {  	s3 =	sld [smem:$0x3FFC];
	_ =	sdelay $0x3  }
0x94: {  	_ =	strace s3  }
0x95: {  	s3 =	sld [smem:$0x3FFD];
	_ =	sdelay $0x3  }
0x96: {  	_ =	strace s3  }
0x97: {  	_ =	strace $0x8FFFFFFF  }
0x98: {  	s19 =	sld [smem:$0x3FDB];
	_ =	sdelay $0x1  }
0x99: {  	s4 =	simm.s32 $_scs_section_size  }
0x9a: {  	s5 =	simm.s32 $_size__tile_overlayer_lowered;
	s6 =	simm.s32 $_tile_overlayer_lowered  }
0x9b: {  	s22 =	simm.s32 $0x1BFF;
	s21 =	sshll.u32 s6, $0x1;
	s3 =	sadd.s32 s4, s19  }
0x9c: {  	s7 =	simm.s32 $0x0;
	s20 =	sshll.u32 s5, $0x1;
	s5 =	sadd.s32 s21, s3  }
0x9d: {  	[timem:s7], [sflag:s22] =	dma.local [hbm:s5], s20  }
0x9e: {  	_ =	swait.ge [sflag:s22], s20  }
0x9f: {  	s4 =	ssub.s32 $0x0, s20;
	[sflag:s22] =	ssyncset.done $0x0  }
0xa0: {  	[sflag:s22] =	ssyncadd.s32 s4;
	_ =	sdelay $0x1  }
0xa1: {  	s23 =	simm.s32 $0x1B8B  }
0xa2: {  	_ =	swait.ge [sflag:s23], $0x1  }
0xa3: {  	[sflag:s23] =	ssyncset.done $0x0  }
0xa4: {  	s25 =	simm.s32 $0x1B8E;
	s24 =	sld [smem:$0x3FFE];
	[sflag:s23] =	ssyncadd.s32 $0xFFFFFFFF  }
0xa5: {  	s26 =	simm.s32 $execute0_lowered;
	[smem:$0x3FD2] =	sst s25  }
0xa6: {  	s5 =	sshll.u32 s26, $0x1;
	_ =	strace $0x80000046;
	[dreg:$0x1] =	wrdreg $0xFFFFFFFF  }
0xa7: {  	s28 =	simm.s32 $_size_execute0_lowered;
	s3 =	sadd.s32 s3, s5;
	[dreg:$0x0] =	wrdreg $0x0  }
0xa8: {  	s5 =	sshll.u32 s28, $0x1;
	[dreg:$0x2] =	wrdreg s3  }
0xa9: {  	[dreg:$0x3] =	wrdreg s5  }
0xaa: {  	[dreg:$0x4] =	wrdreg $0xC0  }
0xab: {  	_ =	task [dreg:s7], $0x5FFFF  }
0xac: {  	[dreg:$0x1] =	wrdreg $0xFFFFFFFF  }
0xad: {  	[dreg:$0x0] =	wrdreg $0x60  }
0xae: {  	[dreg:$0x2] =	wrdreg s2  }
0xaf: {  	[dreg:$0x3] =	wrdreg s24  }
0xb0: {  	[dreg:$0x4] =	wrdreg $0x9  }
0xb1: {  	_ =	task.clear_ibuf [dreg:s7], $0x5FFFF;
	_ =	strace $0x90000046  }
0xb2: {  	s29 =	simm.s32 $0x9;
	_ =	strace $0x80000048  }
0xb3: {  	_ =	swait.ge [sflag:s29], $0x1  }
0xb4: {  	[sflag:s29] =	ssyncadd.s32 $0xFFFFFFFF  }
0xb5: {  	_ =	strace $0x90000048  }
0xb6: {  	_ =	sfence  }
0xb7: {  	s30 =	sld [smem:$0x0];
	_ =	sdelay $0x2  }
0xb8: {  	s31 =	sshll.u32 s1, $0xD;
	s1 =	sshrl.u32 s1, $0x2  }
0xb9: {  	s3 =	sand.u32 $0x4000, s31;
	s1 =	sadd.s32 s1, s30  }
0xba: {  	s0 =	sor.u32 s3, s0;
	s1 =	sshll.u32 s1, $0x11  }
0xbb: {  	s0 =	sor.u32 s1, s0  }
0xbc: {  	s0 =	sadd.s32 $0x8F2B, s0  }
0xbd: {  	[sflag:s0] =	ssyncadd.remote.s32 $0x1  }
0xbe: {  	_ =	sfence.sel $0xFFFF  }
0xbf: {  	[dreg:$0x0] =	wrdreg $0xFFFFFFFF;
	(pc) =	sbr.abs _section_cstart, $3  }
0xc0: {  	[dreg:$0x1] =	wrdreg $0xFFFFFFFF  }
0xc1: {  	_ =	task.clear_ibuf [dreg:s7], $0x2FFFF;
	_ =	strace $0x9FFFFFFF  }
0xc2: {  	(tm) =	ssettm $0x7FFFFFFF  }
0xc3: {  	_ =	shalt  }
tec
execute0_lowered:
.L_overlay_start_1:
0x0: {  	(tag) =	ssettag $0x1  }
0x1: {  	s1 =	rddreg [dreg:$0x0]  }
0x2: {  	s4 =	rddreg [dreg:$0x1]  }
0x3: {  	s0 =	rddreg [dreg:$0x2];
	s5 =	srdreg.scid  }
0x4: {  	s3 =	simm.s32 $0x0;
	s2 =	stileid.u32;
	s5 =	sand.u32 $0x1, s5  }
0x5: {  	[smem:$0x7FF] =	sst s3;
	s7 =	sshll.u32 s2, $0x1;
	s6 =	ssub.s32 $0x2, s5  }
0x6: {  	_ =	strace $0x80000047;
	s5 =	sor.u32 s5, s7;
	s8 =	sshrl.u32 s6, $0x1  }
0x7: {  	s7 =	sshll.u32 s5, $0x1;
	s30 =	sshll.u32 s5, $0x3;
	s31 =	sshllo.u32 s5, $0x1  }
0x8: {  	s6 =	ssub.s32 s6, s8;
	v0 =	vmov s7;
	s4 =	sadd.s32 s4, s30;
	s7 =	simm.s32 $0x800  }
0x9: {  	v2 =	vimm.s32 $0x800;
	v3 =	vimm.f32 $0.0e+00;
	v1 =	vmov s31;
	s8 =	simm.s32 $0x0;
	s5 =	smax.u32 s6, $0x1;
	s6 =	simm.s32 $0x1  }
.LBB2_1:
0xa: {  	[tilespmem:s3], [sflag:$0x1] =	stream.linear.gather [hbm4b:s1+s3], $0x800, $0x38;
	[tilespmem:$0x900] =	vst v63  }
0xb: {  	_ =	swait.ge [sflag:s6], $0x800  }
0xc: {  	[sflag:s6] =	ssyncset.done $0x0  }
0xd: {  	v4 =	vimm.s32 $0x0;
	[sflag:s6] =	ssyncadd.s32 $0xFFFFF800  }
0xe: {  	[tilespmem:$0x880] =	vst v4  }
0xf: {  	[tilespmem:$0x800] =	vst v2  }
0x10: {  	[tilespmem:$0x810] =	vst v2  }
0x11: {  	[tilespmem:$0x820] =	vst v2  }
0x12: {  	[tilespmem:$0x830] =	vst v2  }
0x13: {  	v5 =	vld [tilespmem:s3+$0x0];
	_ =	sdelay $0x4  }
0x14: {  	vm0 =	veq.s32 v5, v0;
	vm1 =	veq.s32 v5, v1  }
0x15: {  	vm0 =	vmor vm0, vm1  }
0x16: {  	v6 =	vsel vm0, $0x3F800000, v3  }
0x17: {  	(xrf0) =	vmax.scan.msk.f32 $0xffff, v6;
	_ =	sdelay $0x5  }
0x18: {  	v6, _, _ =	vpop (xrf0)  }
0x19: {  	(v2sf) =	vpush v6, $0xF;
	_ =	sdelay $0xe  }
0x1a: {  	s9 =	spop (v2sf)  }
0x1b: {  	p0 =	sgt.f32 s9, $0.0e+00;
	_ =	sdelay $0x1  }
0x1c: {  	v6 =	vlaneseq.u32 @p0  }
0x1d: {  	v7 =	vadd.s32 @p0 $0x7, v6  }
0x1e: {  	vm0 =	veq.s32 @p0 v5, v1;
	vm1 =	veq.s32 @p0 v5, v0;
	v5 =	vimm.s32 @p0 $0x0  }
0x1f: {  	v8 =	vsel @p0 vm1, $0x1, v5;
	v5 =	vsel @p0 vm0, $0x100, v5  }
0x20: {  	v5 =	vor.u32 @p0 v8, v5  }
0x21: {  	s10 =	simm.s32 @p0 $0x880;
	[tilespmem:$0x888] =	vst @p0 v5  }
0x22: {  	v7 =	vld.idx.msk @p0 [tilespmem:v7+s10+$0x0], $0xffff;
	_ =	sdelay $0x1  }
0x23: {  	v8 =	vadd.s32 @p0 $0x6, v6;
	_ =	sdelay $0x2  }
0x24: {  	v5 =	vadd.s32 @p0 v5, v7  }
0x25: {  	[tilespmem:$0x888] =	vst @p0 v5  }
0x26: {  	v7 =	vld.idx.msk @p0 [tilespmem:v8+s10+$0x0], $0xffff;
	_ =	sdelay $0x1  }
0x27: {  	v8 =	vadd.s32 @p0 $0x4, v6;
	_ =	sdelay $0x2  }
0x28: {  	v5 =	vadd.s32 @p0 v5, v7  }
0x29: {  	[tilespmem:$0x888] =	vst @p0 v5  }
0x2a: {  	v7 =	vld.idx.msk @p0 [tilespmem:v8+s10+$0x0], $0xffff;
	_ =	sdelay $0x4  }
0x2b: {  	v5 =	vadd.s32 @p0 v5, v7  }
0x2c: {  	[tilespmem:$0x888] =	vst @p0 v5  }
0x2d: {  	v7 =	vld.idx.msk @p0 [tilespmem:v6+s10+$0x0], $0xffff;
	_ =	sdelay $0x4  }
0x2e: {  	v5 =	vadd.s32 @p0 v5, v7  }
0x2f: {  	v7 =	vand.u32 @p0 $0xFF, v5;
	v8 =	vshra.s32 @p0 v5, $0x8  }
0x30: {  	v7 =	vadd.s32 @p0 v7, v4;
	v8 =	vadd.s32 @p0 v8, v4  }
0x31: {  	v7 =	vadd.s32 @p0 $0xFFFFFFFF, v7;
	v8 =	vadd.s32 @p0 $0xFFFFFFFF, v8  }
0x32: {  	vm2 =	vlt.s32 @p0 v7, $0x20;
	vm3 =	vlt.s32 @p0 v8, $0x20  }
0x33: {  	v8 =	vadd.s32 @p0 $0x20, v8;
	vm1 =	vmand @p0 vm1, vm2;
	vm0 =	vmand @p0 vm0, vm3  }
0x34: {  	v8 =	vnsel @p0 vm0, $0x0, v8;
	vm0 =	vmor @p0 vm1, vm0  }
0x35: {  	v7 =	vsel @p0 vm1, v7, v8;
	_ =	sdelay $0x2  }
0x36: {  	v8 =	vimm.s32 @p0 $0x17  }
0x37: {  	s9 =	simm.s32 @p0 $0x800;
	v6 =	vor.u32 @p0 s3, v6  }
0x38: {  	[tilespmem:v7+s9+$0x0] =	vst.idx.msk @p0 vm0, v6  }
0x39: {  	s9 =	simm.s32 $0x10;
	[tilespmem:$0x888] =	vst @p0 v5  }
0x3a: {  	v6 =	vld [tilespmem:s9+$0x0]  }
0x3b: {  	v5 =	vld.idx.msk @p0 [tilespmem:v8+s10+$0x0], $0xffff;
	_ =	sdelay $0x3  }
0x3c: {  	vm14 =	veq.s32 v6, v0;
	vm15 =	veq.s32 v6, v1  }
0x3d: {  	v7 =	vand.u32 @p0 $0xFF, v5;
	vm0 =	vmor vm14, vm15  }
0x3e: {  	s11 =	simm.s32 $0x10;
	s10 =	simm.s32 $0x20;
	v8 =	vshra.s32 @p0 v5, $0x8;
	v5 =	vimm.s32 $0x0;
	v9 =	vsel vm0, $0x3F800000, v3  }
.LBB2_2:
0x3f: {  	(xrf0) =	vmax.scan.msk.f32 $0xffff, v9;
	v7 =	vadd.s32 @p0 v4, v7;
	v8 =	vadd.s32 @p0 v5, v8;
	s12 =	smov.u32 s10;
	s10 =	sadd.s32 $0x10, s10  }
0x40: {  	p1 =	sne.s32 s10, $0x800;
	v4 =	vpsel p0, v7, v4;
	v5 =	vpsel p0, v8, v5;
	_ =	sdelay $0x4  }
0x41: {  	v7, _, _ =	vpop (xrf0)  }
0x42: {  	(v2sf) =	vpush v7, $0xF;
	_ =	sdelay $0xe  }
0x43: {  	s13 =	spop (v2sf)  }
0x44: {  	p0 =	sgt.f32 s13, $0.0e+00;
	_ =	sdelay $0x1  }
0x45: {  	vm0 =	veq.s32 @p0 v6, v1;
	vm1 =	veq.s32 @p0 v6, v0;
	v6 =	vlaneseq.u32 @p0  }
0x46: {  	v7 =	vimm.s32 @p0 $0x0;
	v8 =	vadd.s32 @p0 $0x7, v6;
	v9 =	vadd.s32 @p0 $0x6, v6  }
0x47: {  	v10 =	vsel @p0 vm1, $0x1, v7;
	v7 =	vsel @p0 vm0, $0x100, v7;
	v11 =	vadd.s32 @p0 $0x4, v6  }
0x48: {  	v12 =	vor.u32 @p0 s9, v6;
	s9 =	smov.u32 s12;
	v7 =	vor.u32 @p0 v10, v7;
	_ =	sdelay $0x1  }
0x49: {  	s12 =	simm.s32 @p0 $0x880;
	[tilespmem:$0x888] =	vst @p0 v7  }
0x4a: {  	v8 =	vld.idx.msk @p0 [tilespmem:v8+s12+$0x0], $0xffff;
	_ =	sdelay $0x5  }
0x4b: {  	v7 =	vadd.s32 @p0 v7, v8  }
0x4c: {  	[tilespmem:$0x888] =	vst @p0 v7  }
0x4d: {  	v8 =	vld.idx.msk @p0 [tilespmem:v9+s12+$0x0], $0xffff;
	_ =	sdelay $0x5  }
0x4e: {  	v7 =	vadd.s32 @p0 v7, v8  }
0x4f: {  	[tilespmem:$0x888] =	vst @p0 v7  }
0x50: {  	v8 =	vld.idx.msk @p0 [tilespmem:v11+s12+$0x0], $0xffff;
	_ =	sdelay $0x5  }
0x51: {  	v7 =	vadd.s32 @p0 v7, v8  }
0x52: {  	[tilespmem:$0x888] =	vst @p0 v7  }
0x53: {  	v6 =	vld.idx.msk @p0 [tilespmem:v6+s12+$0x0], $0xffff;
	_ =	sdelay $0x5  }
0x54: {  	v6 =	vadd.s32 @p0 v7, v6  }
0x55: {  	v7 =	vand.u32 @p0 $0xFF, v6;
	v8 =	vshra.s32 @p0 v6, $0x8  }
0x56: {  	v7 =	vadd.s32 @p0 v7, v4;
	v8 =	vadd.s32 @p0 v8, v5  }
0x57: {  	v7 =	vadd.s32 @p0 $0xFFFFFFFF, v7;
	v8 =	vadd.s32 @p0 $0xFFFFFFFF, v8  }
0x58: {  	vm2 =	vlt.s32 @p0 v7, $0x20;
	vm3 =	vlt.s32 @p0 v8, $0x20;
	v8 =	vadd.s32 @p0 $0x20, v8  }
0x59: {  	vm1 =	vmand @p0 vm1, vm2;
	vm0 =	vmand @p0 vm0, vm3  }
0x5a: {  	v8 =	vnsel @p0 vm0, $0x0, v8;
	vm0 =	vmor @p0 vm1, vm0  }
0x5b: {  	v7 =	vsel @p0 vm1, v7, v8;
	_ =	sdelay $0x1  }
0x5c: {  	v8 =	vimm.s32 @p0 $0x17;
	_ =	sdelay $0x1  }
0x5d: {  	s13 =	simm.s32 @p0 $0x800  }
0x5e: {  	[tilespmem:v7+s13+$0x0] =	vst.idx.msk @p0 vm0, v12  }
0x5f: {  	s11 =	sadd.s32 $0x10, s11;
	[tilespmem:$0x888] =	vst @p0 v6  }
0x60: {  	v6 =	vld [tilespmem:s11+$0x0]  }
0x61: {  	v8 =	vld.idx.msk @p0 [tilespmem:v8+s12+$0x0], $0xffff;
	_ =	sdelay $0x1  }
.Ltmp0:
0x62: {  	(pc) =	sbr.rel @p1 .LBB2_2-.Ltmp0, $4  }
0x63: {  	_ = 	snop  }
0x64: {  	vm0 =	veq.s32 v6, v0;
	vm1 =	veq.s32 v6, v1  }
0x65: {  	vm0 =	vmor vm0, vm1  }
0x66: {  	v7 =	vand.u32 @p0 $0xFF, v8;
	v8 =	vshra.s32 @p0 v8, $0x8;
	v9 =	vsel vm0, $0x3F800000, v3  }
0x67: {  	(xrf0) =	vmax.scan.msk.f32 $0xffff, v9;
	_ =	sdelay $0x5  }
0x68: {  	v9, _, _ =	vpop (xrf0)  }
0x69: {  	(v2sf) =	vpush v9, $0xF;
	_ =	sdelay $0xe  }
0x6a: {  	s10 =	spop (v2sf)  }
0x6b: {  	p1 =	sgt.f32 s10, $0.0e+00;
	_ =	sdelay $0x1  }
0x6c: {  	v9 =	vlaneseq.u32 @p1  }
0x6d: {  	v10 =	vadd.s32 @p1 $0x7, v9  }
0x6e: {  	vm0 =	veq.s32 @p1 v6, v1;
	vm1 =	veq.s32 @p1 v6, v0;
	v6 =	vimm.s32 @p1 $0x0  }
0x6f: {  	v11 =	vsel @p1 vm1, $0x1, v6;
	v6 =	vsel @p1 vm0, $0x100, v6  }
0x70: {  	v6 =	vor.u32 @p1 v11, v6  }
0x71: {  	s10 =	simm.s32 @p1 $0x880;
	[tilespmem:$0x888] =	vst @p1 v6  }
0x72: {  	v10 =	vld.idx.msk @p1 [tilespmem:v10+s10+$0x0], $0xffff;
	_ =	sdelay $0x1  }
0x73: {  	v11 =	vadd.s32 @p1 $0x6, v9;
	_ =	sdelay $0x2  }
0x74: {  	v6 =	vadd.s32 @p1 v6, v10  }
0x75: {  	[tilespmem:$0x888] =	vst @p1 v6  }
0x76: {  	v10 =	vld.idx.msk @p1 [tilespmem:v11+s10+$0x0], $0xffff;
	_ =	sdelay $0x1  }
0x77: {  	v11 =	vadd.s32 @p1 $0x4, v9;
	_ =	sdelay $0x2  }
0x78: {  	v6 =	vadd.s32 @p1 v6, v10  }
0x79: {  	[tilespmem:$0x888] =	vst @p1 v6  }
0x7a: {  	v10 =	vld.idx.msk @p1 [tilespmem:v11+s10+$0x0], $0xffff;
	_ =	sdelay $0x4  }
0x7b: {  	v6 =	vadd.s32 @p1 v6, v10  }
0x7c: {  	[tilespmem:$0x888] =	vst @p1 v6  }
0x7d: {  	v10 =	vld.idx.msk @p1 [tilespmem:v9+s10+$0x0], $0xffff;
	_ =	sdelay $0x3  }
0x7e: {  	v7 =	vadd.s32 @p0 v4, v7  }
0x7f: {  	v8 =	vadd.s32 @p0 v5, v8;
	v4 =	vpsel p0, v7, v4;
	v6 =	vadd.s32 @p1 v6, v10  }
0x80: {  	v5 =	vpsel p0, v8, v5;
	v7 =	vand.u32 @p1 $0xFF, v6;
	v8 =	vshra.s32 @p1 v6, $0x8  }
0x81: {  	v4 =	vadd.s32 @p1 v7, v4;
	v5 =	vadd.s32 @p1 v8, v5  }
0x82: {  	v4 =	vadd.s32 @p1 $0xFFFFFFFF, v4;
	v5 =	vadd.s32 @p1 $0xFFFFFFFF, v5  }
0x83: {  	vm2 =	vlt.s32 @p1 v4, $0x20;
	vm3 =	vlt.s32 @p1 v5, $0x20  }
0x84: {  	v5 =	vadd.s32 @p1 $0x20, v5;
	vm1 =	vmand @p1 vm1, vm2;
	vm0 =	vmand @p1 vm0, vm3  }
0x85: {  	v5 =	vnsel @p1 vm0, $0x0, v5;
	vm0 =	vmor @p1 vm1, vm0  }
0x86: {  	v4 =	vsel @p1 vm1, v4, v5;
	_ =	sdelay $0x3  }
0x87: {  	s8 =	sadd.s32 $0x1, s8;
	v5 =	vor.u32 @p1 s9, v9;
	s9 =	simm.s32 @p1 $0x800  }
0x88: {  	p0 =	sne.s32 s8, s5;
	[tilespmem:v4+s9+$0x0] =	vst.idx.msk @p1 vm0, v5  }
.Ltmp1:
0x89: {  	[tilespmem:$0x888] =	vst @p1 v6;
	(pc) =	sbr.rel @p0 .LBB2_1-.Ltmp1, $4  }
0x8a: {  	[hbm4b:s4+s3] =	stream.linear.scatter [tilespmem:s7], [sflag:$0x1], $0x40, $0x38;
	[tilespmem:$0x900] =	vst v63  }
0x8b: {  	_ =	swait.ge [sflag:s6], $0x40  }
0x8c: {  	[sflag:s6] =	ssyncset.done $0x0  }
0x8d: {  	[sflag:s6] =	ssyncadd.s32 $0xFFFFFFC0  }
0x8e: {  	_ =	sfence.sel $0x180000  }
0x8f: {  	[bflag:$0x0] =	sbarrier.arrive $0xFFFF  }
0x90: {  	p0 =	sne.s32 s2, $0x0;
	_ =	strace $0x90000047  }
0x91: {  	s0 =	sadd.s32 @!p0 $0x100000, s0;
	[bflag:$0x2] =	sbarrier.arrive $0xFFFF  }
0x92: {  	[sflag:s0] =	ssyncadd.tile.s32 @!p0 $0x1;
	_ =	shalt  }
.Lfunc_end2:
_tile_overlayer_lowered:
.L_overlay_start_2:
0x93: {  	(tag) =	ssettag $0x2  }
0x94: {  	s0 =	rddreg [dreg:$0x0];
	s2 =	stileid.u32  }
0x95: {  	s1 =	rddreg [dreg:$0x1];
	p0 =	sne.s32 s2, $0x0  }
0x96: {  	s3 =	rddreg [dreg:$0x2];
	[bflag:$0x3] =	sbarrier.arrive $0xFFFF;
	s2 =	simm.s32 @!p0 $0x1C01  }
0x97: {  	[timem:s3], [sflag:s2] =	dma.local @!p0 [hbm:s0], s1  }
0x98: {  	s0 =	simm.s32 @!p0 $0x1  }
0x99: {  	_ =	swait.ge @!p0 [sflag:s0], s1  }
0x9a: {  	s1 =	ssub.s32 @!p0 $0x0, s1;
	[sflag:s0] =	ssyncset.done @!p0 $0x0  }
0x9b: {  	[sflag:s0] =	ssyncadd.s32 @!p0 s1  }
0x9c: {  	[bflag:$0x3] =	sbarrier.arrive $0xFFFF  }
0x9d: {  	_ =	shalt  }

</sc_bundles>
